<compile_context>
chip_gen: v7x
topology: tpu7x:2x2x1
jax: 0.10.2.dev20260603
libtpu: 0.0.44.dev20260713+nightly
codegen_flags: <defaults>
</compile_context>

<pallas_src>
import functools

import jax
import jax.numpy as jnp
from jax import lax
from jax.experimental import pallas as pl
from jax.experimental.pallas import tpu as pltpu
from jax.experimental.pallas import tpu_sc as plsc

VOCAB = 1000
D = 1000
DP = 1024
B, T = 4, 2048
NSPLIT = 2
TH = T // NSPLIT
NC, NS = 2, 16
NW = NC * NS
B_PER_W = (B * TH) // NW
CHUNK = 32
NBUF = 3
NCHUNKS = B_PER_W // CHUNK
W_PER_B = TH // B_PER_W

_MESH = plsc.VectorSubcoreMesh(
    core_axis_name="c", subcore_axis_name="s", num_cores=NC, num_subcores=NS)


@functools.partial(
    pl.kernel,
    out_type=jax.ShapeDtypeStruct((B, TH, DP), jnp.float32),
    mesh=_MESH,
    scratch_types=[
        pltpu.VMEM((B_PER_W,), jnp.int32),
        pltpu.VMEM((NBUF, CHUNK, DP), jnp.float32),
        pltpu.SemaphoreType.DMA,
        pltpu.SemaphoreType.DMA,
    ],
)
def _gather_rows(idx_hbm, table_hbm, out_hbm, idx_v, rows_v, gsem, ssem):
    wid = lax.axis_index("s") * NC + lax.axis_index("c")
    b = wid // W_PER_B
    t0 = (wid % W_PER_B) * B_PER_W
    pltpu.sync_copy(idx_hbm.at[pl.ds(wid * B_PER_W, B_PER_W)], idx_v)

    gathers = [None] * NCHUNKS
    scatters = [None] * NCHUNKS
    s_waited = [False] * NCHUNKS
    for ch in range(min(NBUF, NCHUNKS)):
        gathers[ch] = pltpu.async_copy(
            table_hbm.at[idx_v.at[pl.ds(ch * CHUNK, CHUNK)]],
            rows_v.at[ch], gsem)
    for ch in range(NCHUNKS):
        gathers[ch].wait()
        scatters[ch] = pltpu.async_copy(
            rows_v.at[ch % NBUF],
            out_hbm.at[b, pl.ds(t0 + ch * CHUNK, CHUNK)], ssem)
        prev = ch - (NBUF - 1)
        nxt = ch + 1
        if prev >= 0 and nxt < NCHUNKS and gathers[nxt] is None:
            scatters[prev].wait()
            s_waited[prev] = True
            gathers[nxt] = pltpu.async_copy(
                table_hbm.at[idx_v.at[pl.ds(nxt * CHUNK, CHUNK)]],
                rows_v.at[nxt % NBUF], gsem)
    for ch in range(NCHUNKS):
        if not s_waited[ch]:
            scatters[ch].wait()


_TBLK = 512


def _transpose_body(half_ref, out_ref):
    t = half_ref[0].T
    out_ref[...] = t[None, :D, :]


def _transpose_body_acc(acc_ref, half_ref, out_ref):
    del acc_ref
    _transpose_body(half_ref, out_ref)


def _transpose_into(acc, half, h):
    grid = (B, TH // _TBLK)
    out_block = pl.BlockSpec(
        (1, D, _TBLK), lambda b, t, h=h: (b, 0, h * (TH // _TBLK) + t))
    half_block = pl.BlockSpec((1, _TBLK, DP), lambda b, t: (b, t, 0))
    if acc is None:
        return pl.pallas_call(
            _transpose_body,
            grid=grid,
            in_specs=[half_block],
            out_specs=out_block,
            out_shape=jax.ShapeDtypeStruct((B, D, T), jnp.float32),
        )(half)
    return pl.pallas_call(
        _transpose_body_acc,
        grid=grid,
        in_specs=[pl.BlockSpec(memory_space=pltpu.MemorySpace.HBM), half_block],
        out_specs=out_block,
        out_shape=jax.ShapeDtypeStruct((B, D, T), jnp.float32),
        input_output_aliases={0: 0},
    )(acc, half)


def kernel(idx, targets, table):
    del targets
    if idx.dtype != jnp.int32:
        idx = idx.astype(jnp.int32)
    table_pad = jnp.pad(table, ((0, 0), (0, DP - D)))
    halves = [
        _gather_rows(idx[:, h * TH:(h + 1) * TH].reshape(B * TH), table_pad)
        for h in range(NSPLIT)
    ]
    acc = None
    for h, half in enumerate(halves):
        acc = _transpose_into(acc, half, h)
    return acc.transpose(0, 2, 1)

# --- scband reference (transcript-rebuilt; emitter-appended) ---
"""Pipeline reference for scband-bigram-language-model-84997402788052 (READ-ONLY COPY).

The authoritative reference and input builder live on the scoring server;
editing this copy changes nothing except your own understanding.
"""

import jax, jax.numpy as jnp
import numpy as np

VOCAB = 1000
B, T = 4, 2048

def setup_inputs(seed: int = 0) -> dict:
    key = jax.random.key(seed)
    k1, k2, k3 = jax.random.split(key, 3)
    idx = jax.random.randint(k1, (B, T), 0, VOCAB)
    targets = jax.random.randint(k2, (B, T), 0, VOCAB)
    table = jax.random.normal(k3, (VOCAB, VOCAB), dtype=jnp.float32)
    return {"idx": idx, "targets": targets, "table": table}

def reference(idx, targets, table):
    # logits = self.token_embdedding_table(idx)
    logits = jnp.take(table, idx, axis=0)
    b, t, c = logits.shape
    nlogits = logits.reshape(b * t, c)
    tg = targets.reshape(b * t)
    # F.cross_entropy (computed in the torch forward but not returned)
    logp = jax.nn.log_softmax(nlogits, axis=-1)
    loss = -jnp.take_along_axis(logp, tg[:, None], axis=1).mean()
    # softmax over last position (feeds multinomial sampling / prints in torch; discarded)
    probs_last = jax.nn.softmax(logits[:, -1, :], axis=-1)
    _ = (loss, probs_last)
    # the torch module returns logits
    return logits

if __name__ == "__main__":
    import jax
    _d = setup_inputs()
    print(jax.jit(kernel)(*tuple(_d.values())))

</pallas_src>

<mosaic_0001>
#map = affine_map<(d0, d1) -> (0)>
#map1 = affine_map<(d0, d1) -> (0, 0)>
#map2 = affine_map<(d0, d1) -> (0, 0, 0)>
module attributes {stable_mosaic.version = 14 : i64} {
  func.func @_gather_rows(%arg0: i32, %arg1: i32, %arg2: memref<4096xi32, #tpu.memory_space<hbm>>, %arg3: memref<1000x1024xf32, #tpu.memory_space<hbm>>, %arg4: memref<4x1024x1024xf32, #tpu.memory_space<hbm>>, %arg5: memref<128xi32, #tpu.memory_space<vmem>>, %arg6: memref<3x32x1024xf32, #tpu.memory_space<vmem>>, %arg7: memref<!tpu.dma_semaphore, #tpu.memory_space<semaphore_mem>>, %arg8: memref<!tpu.dma_semaphore, #tpu.memory_space<semaphore_mem>>) attributes {dimension_semantics = [#tpu.dimension_semantics<core_parallel>, #tpu.dimension_semantics<subcore_parallel>], iteration_bounds = array<i64: 2, 16>, scalar_prefetch = 0 : i64, scratch_operands = 4 : i64, tpu.core_type = #tpu.core_type<sc_vector_subcore>, window_params = [{transform_indices = #map}, {transform_indices = #map1}, {transform_indices = #map2}]} {
    %mul3A = arith.constant 2 : i32
    %mul3A_0 = arith.muli %arg1, %mul3A : i32
    %add3A = arith.addi %mul3A_0, %arg0 : i32
    %jit3A = arith.constant 8 : i32
    %div3A = arith.divsi %add3A, %jit3A : i32
    %sign3A = arith.constant 0 : i32
    %sign3A_1 = arith.cmpi sgt, %add3A, %sign3A : i32
    %sign3A_2 = arith.extui %sign3A_1 : i1 to i32
    %sign3A_3 = arith.constant 0 : i32
    %sign3A_4 = arith.cmpi slt, %add3A, %sign3A_3 : i32
    %sign3A_5 = arith.extui %sign3A_4 : i1 to i32
    %sign3A_6 = arith.subi %sign3A_2, %sign3A_5 : i32
    %sign3A_7 = arith.constant 0 : i32
    %sign3A_8 = arith.cmpi sgt, %jit3A, %sign3A_7 : i32
    %sign3A_9 = arith.extui %sign3A_8 : i1 to i32
    %sign3A_10 = arith.constant 0 : i32
    %sign3A_11 = arith.cmpi slt, %jit3A, %sign3A_10 : i32
    %sign3A_12 = arith.extui %sign3A_11 : i1 to i32
    %sign3A_13 = arith.subi %sign3A_9, %sign3A_12 : i32
    %ne3A = arith.cmpi ne, %sign3A_6, %sign3A_13 : i32
    %rem3A = arith.remsi %add3A, %jit3A : i32
    %ne3A_14 = arith.constant 0 : i32
    %ne3A_15 = arith.cmpi ne, %rem3A, %ne3A_14 : i32
    %and3A = arith.andi %ne3A, %ne3A_15 : i1
    %sub3A = arith.constant 1 : i32
    %sub3A_16 = arith.subi %div3A, %sub3A : i32
    %select_n3A = arith.select %and3A, %sub3A_16, %div3A : i32
    %jit3A_17 = arith.constant 8 : i32
    %eq3A = arith.constant 0 : i32
    %eq3A_18 = arith.cmpi eq, %jit3A_17, %eq3A : i32
    %jit3A_19 = arith.constant 1 : i32
    %select_n3A_20 = arith.select %eq3A_18, %jit3A_19, %jit3A_17 : i32
    %rem3A_21 = arith.remsi %add3A, %select_n3A_20 : i32
    %ne3A_22 = arith.constant 0 : i32
    %ne3A_23 = arith.cmpi ne, %rem3A_21, %ne3A_22 : i32
    %lt3A = arith.constant 0 : i32
    %lt3A_24 = arith.cmpi slt, %rem3A_21, %lt3A : i32
    %lt3A_25 = arith.constant 0 : i32
    %lt3A_26 = arith.cmpi slt, %select_n3A_20, %lt3A_25 : i32
    %ne3A_27 = arith.xori %lt3A_24, %lt3A_26 : i1
    %and3A_28 = arith.andi %ne3A_27, %ne3A_23 : i1
    %add3A_29 = arith.addi %rem3A_21, %select_n3A_20 : i32
    %select_n3A_30 = arith.select %and3A_28, %add3A_29, %rem3A_21 : i32
    %mul3A_31 = arith.constant 128 : i32
    %mul3A_32 = arith.muli %select_n3A_30, %mul3A_31 : i32
    %mul3A_33 = arith.constant 128 : i32
    %mul3A_34 = arith.muli %add3A, %mul3A_33 : i32
    "tpu.region"() ({
      %run_scoped3A = tpu.sem_alloc : memref<!tpu.dma_semaphore, #tpu.memory_space<semaphore_mem>>
      %dma_start3A_241 = tpu.memref_slice %arg2[%mul3A_34] : memref<4096xi32, #tpu.memory_space<hbm>> -> memref<128xi32, #tpu.memory_space<hbm>>
      %dma_start3A_242 = tpu.memref_slice %arg2[%mul3A_34] : memref<4096xi32, #tpu.memory_space<hbm>> -> memref<128xi32, #tpu.memory_space<hbm>>
      tpu.enqueue_dma source(%dma_start3A_242 : memref<128xi32, #tpu.memory_space<hbm>>) target(%arg5 : memref<128xi32, #tpu.memory_space<vmem>>) target_semaphore(%run_scoped3A : memref<!tpu.dma_semaphore, #tpu.memory_space<semaphore_mem>>)
      %dma_wait3A_243 = tpu.memref_slice %arg2[%mul3A_34] : memref<4096xi32, #tpu.memory_space<hbm>> -> memref<128xi32, #tpu.memory_space<hbm>>
      %dma_wait3A_244 = tpu.memref_slice %arg2[%mul3A_34] : memref<4096xi32, #tpu.memory_space<hbm>> -> memref<128xi32, #tpu.memory_space<hbm>>
      tpu.wait_dma2 semaphore(%run_scoped3A : memref<!tpu.dma_semaphore, #tpu.memory_space<semaphore_mem>>) src(%dma_wait3A_244 : memref<128xi32, #tpu.memory_space<hbm>>) dst(%arg5 : memref<128xi32, #tpu.memory_space<vmem>>)
      tpu.yield
    }) : () -> ()
    %dma_start3A = arith.constant 0 : i32
    %dma_start3A_35 = arith.constant 0 : i32
    %dma_start3A_36 = arith.constant 0 : i32
    %dma_start3A_37 = tpu.memref_slice %arg6[%dma_start3A, %dma_start3A_35, %dma_start3A_36] : memref<3x32x1024xf32, #tpu.memory_space<vmem>> -> memref<1x32x1024xf32, #tpu.memory_space<vmem>>
    %dma_start3A_38 = tpu.memref_squeeze %dma_start3A_37 : memref<1x32x1024xf32, #tpu.memory_space<vmem>> -> memref<32x1024xf32, #tpu.memory_space<vmem>>
    %dma_start3A_39 = arith.constant 0 : i32
    %dma_start3A_40 = tpu.memref_slice %arg5[%dma_start3A_39] : memref<128xi32, #tpu.memory_space<vmem>> -> memref<32xi32, #tpu.memory_space<vmem>>
    %dma_start3A_41 = arith.constant 0 : i32
    %dma_start3A_42 = arith.constant 0 : i32
    %dma_start3A_43 = tpu.memref_slice %arg3[%dma_start3A_41, %dma_start3A_42] : memref<1000x1024xf32, #tpu.memory_space<hbm>> -> memref<1000x1024xf32, #tpu.memory_space<hbm>>
    tpu.enqueue_indirect_dma source(%dma_start3A_43 : memref<1000x1024xf32, #tpu.memory_space<hbm>>) target(%dma_start3A_38 : memref<32x1024xf32, #tpu.memory_space<vmem>>) offsets(%dma_start3A_40 : memref<32xi32, #tpu.memory_space<vmem>>) semaphore(%arg7 : memref<!tpu.dma_semaphore, #tpu.memory_space<semaphore_mem>>)
    %dma_start3A_44 = arith.constant 1 : i32
    %dma_start3A_45 = arith.constant 0 : i32
    %dma_start3A_46 = arith.constant 0 : i32
    %dma_start3A_47 = tpu.memref_slice %arg6[%dma_start3A_44, %dma_start3A_45, %dma_start3A_46] : memref<3x32x1024xf32, #tpu.memory_space<vmem>> -> memref<1x32x1024xf32, #tpu.memory_space<vmem>>
    %dma_start3A_48 = tpu.memref_squeeze %dma_start3A_47 : memref<1x32x1024xf32, #tpu.memory_space<vmem>> -> memref<32x1024xf32, #tpu.memory_space<vmem>>
    %dma_start3A_49 = arith.constant 32 : i32
    %dma_start3A_50 = tpu.memref_slice %arg5[%dma_start3A_49] : memref<128xi32, #tpu.memory_space<vmem>> -> memref<32xi32, #tpu.memory_space<vmem>>
    %dma_start3A_51 = arith.constant 0 : i32
    %dma_start3A_52 = arith.constant 0 : i32
    %dma_start3A_53 = tpu.memref_slice %arg3[%dma_start3A_51, %dma_start3A_52] : memref<1000x1024xf32, #tpu.memory_space<hbm>> -> memref<1000x1024xf32, #tpu.memory_space<hbm>>
    tpu.enqueue_indirect_dma source(%dma_start3A_53 : memref<1000x1024xf32, #tpu.memory_space<hbm>>) target(%dma_start3A_48 : memref<32x1024xf32, #tpu.memory_space<vmem>>) offsets(%dma_start3A_50 : memref<32xi32, #tpu.memory_space<vmem>>) semaphore(%arg7 : memref<!tpu.dma_semaphore, #tpu.memory_space<semaphore_mem>>)
    %dma_start3A_54 = arith.constant 2 : i32
    %dma_start3A_55 = arith.constant 0 : i32
    %dma_start3A_56 = arith.constant 0 : i32
    %dma_start3A_57 = tpu.memref_slice %arg6[%dma_start3A_54, %dma_start3A_55, %dma_start3A_56] : memref<3x32x1024xf32, #tpu.memory_space<vmem>> -> memref<1x32x1024xf32, #tpu.memory_space<vmem>>
    %dma_start3A_58 = tpu.memref_squeeze %dma_start3A_57 : memref<1x32x1024xf32, #tpu.memory_space<vmem>> -> memref<32x1024xf32, #tpu.memory_space<vmem>>
    %dma_start3A_59 = arith.constant 64 : i32
    %dma_start3A_60 = tpu.memref_slice %arg5[%dma_start3A_59] : memref<128xi32, #tpu.memory_space<vmem>> -> memref<32xi32, #tpu.memory_space<vmem>>
    %dma_start3A_61 = arith.constant 0 : i32
    %dma_start3A_62 = arith.constant 0 : i32
    %dma_start3A_63 = tpu.memref_slice %arg3[%dma_start3A_61, %dma_start3A_62] : memref<1000x1024xf32, #tpu.memory_space<hbm>> -> memref<1000x1024xf32, #tpu.memory_space<hbm>>
    tpu.enqueue_indirect_dma source(%dma_start3A_63 : memref<1000x1024xf32, #tpu.memory_space<hbm>>) target(%dma_start3A_58 : memref<32x1024xf32, #tpu.memory_space<vmem>>) offsets(%dma_start3A_60 : memref<32xi32, #tpu.memory_space<vmem>>) semaphore(%arg7 : memref<!tpu.dma_semaphore, #tpu.memory_space<semaphore_mem>>)
    %dma_wait3A = arith.constant 0 : i32
    %dma_wait3A_64 = arith.constant 0 : i32
    %dma_wait3A_65 = arith.constant 0 : i32
    %dma_wait3A_66 = tpu.memref_slice %arg6[%dma_wait3A, %dma_wait3A_64, %dma_wait3A_65] : memref<3x32x1024xf32, #tpu.memory_space<vmem>> -> memref<1x32x1024xf32, #tpu.memory_space<vmem>>
    %dma_wait3A_67 = tpu.memref_squeeze %dma_wait3A_66 : memref<1x32x1024xf32, #tpu.memory_space<vmem>> -> memref<32x1024xf32, #tpu.memory_space<vmem>>
    %dma_wait3A_68 = arith.constant 0 : i32
    %dma_wait3A_69 = tpu.memref_slice %arg5[%dma_wait3A_68] : memref<128xi32, #tpu.memory_space<vmem>> -> memref<32xi32, #tpu.memory_space<vmem>>
    %dma_wait3A_70 = arith.constant 0 : i32
    %dma_wait3A_71 = arith.constant 0 : i32
    %dma_wait3A_72 = tpu.memref_slice %arg3[%dma_wait3A_70, %dma_wait3A_71] : memref<1000x1024xf32, #tpu.memory_space<hbm>> -> memref<1000x1024xf32, #tpu.memory_space<hbm>>
    tpu.wait_indirect_dma semaphore(%arg7 : memref<!tpu.dma_semaphore, #tpu.memory_space<semaphore_mem>>) src(%dma_wait3A_72 : memref<1000x1024xf32, #tpu.memory_space<hbm>>) dst(%dma_wait3A_67 : memref<32x1024xf32, #tpu.memory_space<vmem>>)
    %add3A_73 = arith.constant 0 : i32
    %add3A_74 = arith.addi %mul3A_32, %add3A_73 : i32
    %dma_start3A_75 = arith.constant 0 : i32
    %dma_start3A_76 = arith.constant 0 : i32
    %dma_start3A_77 = arith.constant 0 : i32
    %dma_start3A_78 = tpu.memref_slice %arg6[%dma_start3A_75, %dma_start3A_76, %dma_start3A_77] : memref<3x32x1024xf32, #tpu.memory_space<vmem>> -> memref<1x32x1024xf32, #tpu.memory_space<vmem>>
    %dma_start3A_79 = tpu.memref_squeeze %dma_start3A_78 : memref<1x32x1024xf32, #tpu.memory_space<vmem>> -> memref<32x1024xf32, #tpu.memory_space<vmem>>
    %dma_start3A_80 = arith.constant 0 : i32
    %dma_start3A_81 = tpu.memref_slice %arg4[%select_n3A, %add3A_74, %dma_start3A_80] : memref<4x1024x1024xf32, #tpu.memory_space<hbm>> -> memref<1x32x1024xf32, #tpu.memory_space<hbm>>
    %dma_start3A_82 = tpu.memref_squeeze %dma_start3A_81 : memref<1x32x1024xf32, #tpu.memory_space<hbm>> -> memref<32x1024xf32, #tpu.memory_space<hbm>>
    %dma_start3A_83 = arith.constant 0 : i32
    %dma_start3A_84 = tpu.memref_slice %arg4[%select_n3A, %add3A_74, %dma_start3A_83] : memref<4x1024x1024xf32, #tpu.memory_space<hbm>> -> memref<1x32x1024xf32, #tpu.memory_space<hbm>>
    %dma_start3A_85 = tpu.memref_squeeze %dma_start3A_84 : memref<1x32x1024xf32, #tpu.memory_space<hbm>> -> memref<32x1024xf32, #tpu.memory_space<hbm>>
    %dma_start3A_86 = arith.constant 0 : i32
    %dma_start3A_87 = arith.constant 0 : i32
    %dma_start3A_88 = tpu.memref_slice %arg6[%dma_start3A_75, %dma_start3A_86, %dma_start3A_87] : memref<3x32x1024xf32, #tpu.memory_space<vmem>> -> memref<1x32x1024xf32, #tpu.memory_space<vmem>>
    %dma_start3A_89 = tpu.memref_squeeze %dma_start3A_88 : memref<1x32x1024xf32, #tpu.memory_space<vmem>> -> memref<32x1024xf32, #tpu.memory_space<vmem>>
    tpu.enqueue_dma source(%dma_start3A_89 : memref<32x1024xf32, #tpu.memory_space<vmem>>) target(%dma_start3A_85 : memref<32x1024xf32, #tpu.memory_space<hbm>>) target_semaphore(%arg8 : memref<!tpu.dma_semaphore, #tpu.memory_space<semaphore_mem>>)
    %dma_wait3A_90 = arith.constant 1 : i32
    %dma_wait3A_91 = arith.constant 0 : i32
    %dma_wait3A_92 = arith.constant 0 : i32
    %dma_wait3A_93 = tpu.memref_slice %arg6[%dma_wait3A_90, %dma_wait3A_91, %dma_wait3A_92] : memref<3x32x1024xf32, #tpu.memory_space<vmem>> -> memref<1x32x1024xf32, #tpu.memory_space<vmem>>
    %dma_wait3A_94 = tpu.memref_squeeze %dma_wait3A_93 : memref<1x32x1024xf32, #tpu.memory_space<vmem>> -> memref<32x1024xf32, #tpu.memory_space<vmem>>
    %dma_wait3A_95 = arith.constant 32 : i32
    %dma_wait3A_96 = tpu.memref_slice %arg5[%dma_wait3A_95] : memref<128xi32, #tpu.memory_space<vmem>> -> memref<32xi32, #tpu.memory_space<vmem>>
    %dma_wait3A_97 = arith.constant 0 : i32
    %dma_wait3A_98 = arith.constant 0 : i32
    %dma_wait3A_99 = tpu.memref_slice %arg3[%dma_wait3A_97, %dma_wait3A_98] : memref<1000x1024xf32, #tpu.memory_space<hbm>> -> memref<1000x1024xf32, #tpu.memory_space<hbm>>
    tpu.wait_indirect_dma semaphore(%arg7 : memref<!tpu.dma_semaphore, #tpu.memory_space<semaphore_mem>>) src(%dma_wait3A_99 : memref<1000x1024xf32, #tpu.memory_space<hbm>>) dst(%dma_wait3A_94 : memref<32x1024xf32, #tpu.memory_space<vmem>>)
    %add3A_100 = arith.constant 32 : i32
    %add3A_101 = arith.addi %mul3A_32, %add3A_100 : i32
    %dma_start3A_102 = arith.constant 1 : i32
    %dma_start3A_103 = arith.constant 0 : i32
    %dma_start3A_104 = arith.constant 0 : i32
    %dma_start3A_105 = tpu.memref_slice %arg6[%dma_start3A_102, %dma_start3A_103, %dma_start3A_104] : memref<3x32x1024xf32, #tpu.memory_space<vmem>> -> memref<1x32x1024xf32, #tpu.memory_space<vmem>>
    %dma_start3A_106 = tpu.memref_squeeze %dma_start3A_105 : memref<1x32x1024xf32, #tpu.memory_space<vmem>> -> memref<32x1024xf32, #tpu.memory_space<vmem>>
    %dma_start3A_107 = arith.constant 0 : i32
    %dma_start3A_108 = tpu.memref_slice %arg4[%select_n3A, %add3A_101, %dma_start3A_107] : memref<4x1024x1024xf32, #tpu.memory_space<hbm>> -> memref<1x32x1024xf32, #tpu.memory_space<hbm>>
    %dma_start3A_109 = tpu.memref_squeeze %dma_start3A_108 : memref<1x32x1024xf32, #tpu.memory_space<hbm>> -> memref<32x1024xf32, #tpu.memory_space<hbm>>
    %dma_start3A_110 = arith.constant 0 : i32
    %dma_start3A_111 = tpu.memref_slice %arg4[%select_n3A, %add3A_101, %dma_start3A_110] : memref<4x1024x1024xf32, #tpu.memory_space<hbm>> -> memref<1x32x1024xf32, #tpu.memory_space<hbm>>
    %dma_start3A_112 = tpu.memref_squeeze %dma_start3A_111 : memref<1x32x1024xf32, #tpu.memory_space<hbm>> -> memref<32x1024xf32, #tpu.memory_space<hbm>>
    %dma_start3A_113 = arith.constant 0 : i32
    %dma_start3A_114 = arith.constant 0 : i32
    %dma_start3A_115 = tpu.memref_slice %arg6[%dma_start3A_102, %dma_start3A_113, %dma_start3A_114] : memref<3x32x1024xf32, #tpu.memory_space<vmem>> -> memref<1x32x1024xf32, #tpu.memory_space<vmem>>
    %dma_start3A_116 = tpu.memref_squeeze %dma_start3A_115 : memref<1x32x1024xf32, #tpu.memory_space<vmem>> -> memref<32x1024xf32, #tpu.memory_space<vmem>>
    tpu.enqueue_dma source(%dma_start3A_116 : memref<32x1024xf32, #tpu.memory_space<vmem>>) target(%dma_start3A_112 : memref<32x1024xf32, #tpu.memory_space<hbm>>) target_semaphore(%arg8 : memref<!tpu.dma_semaphore, #tpu.memory_space<semaphore_mem>>)
    %dma_wait3A_117 = arith.constant 2 : i32
    %dma_wait3A_118 = arith.constant 0 : i32
    %dma_wait3A_119 = arith.constant 0 : i32
    %dma_wait3A_120 = tpu.memref_slice %arg6[%dma_wait3A_117, %dma_wait3A_118, %dma_wait3A_119] : memref<3x32x1024xf32, #tpu.memory_space<vmem>> -> memref<1x32x1024xf32, #tpu.memory_space<vmem>>
    %dma_wait3A_121 = tpu.memref_squeeze %dma_wait3A_120 : memref<1x32x1024xf32, #tpu.memory_space<vmem>> -> memref<32x1024xf32, #tpu.memory_space<vmem>>
    %dma_wait3A_122 = arith.constant 64 : i32
    %dma_wait3A_123 = tpu.memref_slice %arg5[%dma_wait3A_122] : memref<128xi32, #tpu.memory_space<vmem>> -> memref<32xi32, #tpu.memory_space<vmem>>
    %dma_wait3A_124 = arith.constant 0 : i32
    %dma_wait3A_125 = arith.constant 0 : i32
    %dma_wait3A_126 = tpu.memref_slice %arg3[%dma_wait3A_124, %dma_wait3A_125] : memref<1000x1024xf32, #tpu.memory_space<hbm>> -> memref<1000x1024xf32, #tpu.memory_space<hbm>>
    tpu.wait_indirect_dma semaphore(%arg7 : memref<!tpu.dma_semaphore, #tpu.memory_space<semaphore_mem>>) src(%dma_wait3A_126 : memref<1000x1024xf32, #tpu.memory_space<hbm>>) dst(%dma_wait3A_121 : memref<32x1024xf32, #tpu.memory_space<vmem>>)
    %add3A_127 = arith.constant 64 : i32
    %add3A_128 = arith.addi %mul3A_32, %add3A_127 : i32
    %dma_start3A_129 = arith.constant 2 : i32
    %dma_start3A_130 = arith.constant 0 : i32
    %dma_start3A_131 = arith.constant 0 : i32
    %dma_start3A_132 = tpu.memref_slice %arg6[%dma_start3A_129, %dma_start3A_130, %dma_start3A_131] : memref<3x32x1024xf32, #tpu.memory_space<vmem>> -> memref<1x32x1024xf32, #tpu.memory_space<vmem>>
    %dma_start3A_133 = tpu.memref_squeeze %dma_start3A_132 : memref<1x32x1024xf32, #tpu.memory_space<vmem>> -> memref<32x1024xf32, #tpu.memory_space<vmem>>
    %dma_start3A_134 = arith.constant 0 : i32
    %dma_start3A_135 = tpu.memref_slice %arg4[%select_n3A, %add3A_128, %dma_start3A_134] : memref<4x1024x1024xf32, #tpu.memory_space<hbm>> -> memref<1x32x1024xf32, #tpu.memory_space<hbm>>
    %dma_start3A_136 = tpu.memref_squeeze %dma_start3A_135 : memref<1x32x1024xf32, #tpu.memory_space<hbm>> -> memref<32x1024xf32, #tpu.memory_space<hbm>>
    %dma_start3A_137 = arith.constant 0 : i32
    %dma_start3A_138 = tpu.memref_slice %arg4[%select_n3A, %add3A_128, %dma_start3A_137] : memref<4x1024x1024xf32, #tpu.memory_space<hbm>> -> memref<1x32x1024xf32, #tpu.memory_space<hbm>>
    %dma_start3A_139 = tpu.memref_squeeze %dma_start3A_138 : memref<1x32x1024xf32, #tpu.memory_space<hbm>> -> memref<32x1024xf32, #tpu.memory_space<hbm>>
    %dma_start3A_140 = arith.constant 0 : i32
    %dma_start3A_141 = arith.constant 0 : i32
    %dma_start3A_142 = tpu.memref_slice %arg6[%dma_start3A_129, %dma_start3A_140, %dma_start3A_141] : memref<3x32x1024xf32, #tpu.memory_space<vmem>> -> memref<1x32x1024xf32, #tpu.memory_space<vmem>>
    %dma_start3A_143 = tpu.memref_squeeze %dma_start3A_142 : memref<1x32x1024xf32, #tpu.memory_space<vmem>> -> memref<32x1024xf32, #tpu.memory_space<vmem>>
    tpu.enqueue_dma source(%dma_start3A_143 : memref<32x1024xf32, #tpu.memory_space<vmem>>) target(%dma_start3A_139 : memref<32x1024xf32, #tpu.memory_space<hbm>>) target_semaphore(%arg8 : memref<!tpu.dma_semaphore, #tpu.memory_space<semaphore_mem>>)
    %dma_wait3A_144 = arith.constant 0 : i32
    %dma_wait3A_145 = arith.constant 0 : i32
    %dma_wait3A_146 = arith.constant 0 : i32
    %dma_wait3A_147 = tpu.memref_slice %arg6[%dma_wait3A_144, %dma_wait3A_145, %dma_wait3A_146] : memref<3x32x1024xf32, #tpu.memory_space<vmem>> -> memref<1x32x1024xf32, #tpu.memory_space<vmem>>
    %dma_wait3A_148 = tpu.memref_squeeze %dma_wait3A_147 : memref<1x32x1024xf32, #tpu.memory_space<vmem>> -> memref<32x1024xf32, #tpu.memory_space<vmem>>
    %dma_wait3A_149 = arith.constant 0 : i32
    %dma_wait3A_150 = tpu.memref_slice %arg4[%select_n3A, %add3A_74, %dma_wait3A_149] : memref<4x1024x1024xf32, #tpu.memory_space<hbm>> -> memref<1x32x1024xf32, #tpu.memory_space<hbm>>
    %dma_wait3A_151 = tpu.memref_squeeze %dma_wait3A_150 : memref<1x32x1024xf32, #tpu.memory_space<hbm>> -> memref<32x1024xf32, #tpu.memory_space<hbm>>
    %dma_wait3A_152 = arith.constant 0 : i32
    %dma_wait3A_153 = tpu.memref_slice %arg4[%select_n3A, %add3A_74, %dma_wait3A_152] : memref<4x1024x1024xf32, #tpu.memory_space<hbm>> -> memref<1x32x1024xf32, #tpu.memory_space<hbm>>
    %dma_wait3A_154 = tpu.memref_squeeze %dma_wait3A_153 : memref<1x32x1024xf32, #tpu.memory_space<hbm>> -> memref<32x1024xf32, #tpu.memory_space<hbm>>
    %dma_wait3A_155 = arith.constant 0 : i32
    %dma_wait3A_156 = arith.constant 0 : i32
    %dma_wait3A_157 = tpu.memref_slice %arg6[%dma_wait3A_144, %dma_wait3A_155, %dma_wait3A_156] : memref<3x32x1024xf32, #tpu.memory_space<vmem>> -> memref<1x32x1024xf32, #tpu.memory_space<vmem>>
    %dma_wait3A_158 = tpu.memref_squeeze %dma_wait3A_157 : memref<1x32x1024xf32, #tpu.memory_space<vmem>> -> memref<32x1024xf32, #tpu.memory_space<vmem>>
    tpu.wait_dma2 semaphore(%arg8 : memref<!tpu.dma_semaphore, #tpu.memory_space<semaphore_mem>>) src(%dma_wait3A_158 : memref<32x1024xf32, #tpu.memory_space<vmem>>) dst(%dma_wait3A_154 : memref<32x1024xf32, #tpu.memory_space<hbm>>)
    %dma_start3A_159 = arith.constant 0 : i32
    %dma_start3A_160 = arith.constant 0 : i32
    %dma_start3A_161 = arith.constant 0 : i32
    %dma_start3A_162 = tpu.memref_slice %arg6[%dma_start3A_159, %dma_start3A_160, %dma_start3A_161] : memref<3x32x1024xf32, #tpu.memory_space<vmem>> -> memref<1x32x1024xf32, #tpu.memory_space<vmem>>
    %dma_start3A_163 = tpu.memref_squeeze %dma_start3A_162 : memref<1x32x1024xf32, #tpu.memory_space<vmem>> -> memref<32x1024xf32, #tpu.memory_space<vmem>>
    %dma_start3A_164 = arith.constant 96 : i32
    %dma_start3A_165 = tpu.memref_slice %arg5[%dma_start3A_164] : memref<128xi32, #tpu.memory_space<vmem>> -> memref<32xi32, #tpu.memory_space<vmem>>
    %dma_start3A_166 = arith.constant 0 : i32
    %dma_start3A_167 = arith.constant 0 : i32
    %dma_start3A_168 = tpu.memref_slice %arg3[%dma_start3A_166, %dma_start3A_167] : memref<1000x1024xf32, #tpu.memory_space<hbm>> -> memref<1000x1024xf32, #tpu.memory_space<hbm>>
    tpu.enqueue_indirect_dma source(%dma_start3A_168 : memref<1000x1024xf32, #tpu.memory_space<hbm>>) target(%dma_start3A_163 : memref<32x1024xf32, #tpu.memory_space<vmem>>) offsets(%dma_start3A_165 : memref<32xi32, #tpu.memory_space<vmem>>) semaphore(%arg7 : memref<!tpu.dma_semaphore, #tpu.memory_space<semaphore_mem>>)
    %dma_wait3A_169 = arith.constant 0 : i32
    %dma_wait3A_170 = arith.constant 0 : i32
    %dma_wait3A_171 = arith.constant 0 : i32
    %dma_wait3A_172 = tpu.memref_slice %arg6[%dma_wait3A_169, %dma_wait3A_170, %dma_wait3A_171] : memref<3x32x1024xf32, #tpu.memory_space<vmem>> -> memref<1x32x1024xf32, #tpu.memory_space<vmem>>
    %dma_wait3A_173 = tpu.memref_squeeze %dma_wait3A_172 : memref<1x32x1024xf32, #tpu.memory_space<vmem>> -> memref<32x1024xf32, #tpu.memory_space<vmem>>
    %dma_wait3A_174 = arith.constant 96 : i32
    %dma_wait3A_175 = tpu.memref_slice %arg5[%dma_wait3A_174] : memref<128xi32, #tpu.memory_space<vmem>> -> memref<32xi32, #tpu.memory_space<vmem>>
    %dma_wait3A_176 = arith.constant 0 : i32
    %dma_wait3A_177 = arith.constant 0 : i32
    %dma_wait3A_178 = tpu.memref_slice %arg3[%dma_wait3A_176, %dma_wait3A_177] : memref<1000x1024xf32, #tpu.memory_space<hbm>> -> memref<1000x1024xf32, #tpu.memory_space<hbm>>
    tpu.wait_indirect_dma semaphore(%arg7 : memref<!tpu.dma_semaphore, #tpu.memory_space<semaphore_mem>>) src(%dma_wait3A_178 : memref<1000x1024xf32, #tpu.memory_space<hbm>>) dst(%dma_wait3A_173 : memref<32x1024xf32, #tpu.memory_space<vmem>>)
    %add3A_179 = arith.constant 96 : i32
    %add3A_180 = arith.addi %mul3A_32, %add3A_179 : i32
    %dma_start3A_181 = arith.constant 0 : i32
    %dma_start3A_182 = arith.constant 0 : i32
    %dma_start3A_183 = arith.constant 0 : i32
    %dma_start3A_184 = tpu.memref_slice %arg6[%dma_start3A_181, %dma_start3A_182, %dma_start3A_183] : memref<3x32x1024xf32, #tpu.memory_space<vmem>> -> memref<1x32x1024xf32, #tpu.memory_space<vmem>>
    %dma_start3A_185 = tpu.memref_squeeze %dma_start3A_184 : memref<1x32x1024xf32, #tpu.memory_space<vmem>> -> memref<32x1024xf32, #tpu.memory_space<vmem>>
    %dma_start3A_186 = arith.constant 0 : i32
    %dma_start3A_187 = tpu.memref_slice %arg4[%select_n3A, %add3A_180, %dma_start3A_186] : memref<4x1024x1024xf32, #tpu.memory_space<hbm>> -> memref<1x32x1024xf32, #tpu.memory_space<hbm>>
    %dma_start3A_188 = tpu.memref_squeeze %dma_start3A_187 : memref<1x32x1024xf32, #tpu.memory_space<hbm>> -> memref<32x1024xf32, #tpu.memory_space<hbm>>
    %dma_start3A_189 = arith.constant 0 : i32
    %dma_start3A_190 = tpu.memref_slice %arg4[%select_n3A, %add3A_180, %dma_start3A_189] : memref<4x1024x1024xf32, #tpu.memory_space<hbm>> -> memref<1x32x1024xf32, #tpu.memory_space<hbm>>
    %dma_start3A_191 = tpu.memref_squeeze %dma_start3A_190 : memref<1x32x1024xf32, #tpu.memory_space<hbm>> -> memref<32x1024xf32, #tpu.memory_space<hbm>>
    %dma_start3A_192 = arith.constant 0 : i32
    %dma_start3A_193 = arith.constant 0 : i32
    %dma_start3A_194 = tpu.memref_slice %arg6[%dma_start3A_181, %dma_start3A_192, %dma_start3A_193] : memref<3x32x1024xf32, #tpu.memory_space<vmem>> -> memref<1x32x1024xf32, #tpu.memory_space<vmem>>
    %dma_start3A_195 = tpu.memref_squeeze %dma_start3A_194 : memref<1x32x1024xf32, #tpu.memory_space<vmem>> -> memref<32x1024xf32, #tpu.memory_space<vmem>>
    tpu.enqueue_dma source(%dma_start3A_195 : memref<32x1024xf32, #tpu.memory_space<vmem>>) target(%dma_start3A_191 : memref<32x1024xf32, #tpu.memory_space<hbm>>) target_semaphore(%arg8 : memref<!tpu.dma_semaphore, #tpu.memory_space<semaphore_mem>>)
    %dma_wait3A_196 = arith.constant 1 : i32
    %dma_wait3A_197 = arith.constant 0 : i32
    %dma_wait3A_198 = arith.constant 0 : i32
    %dma_wait3A_199 = tpu.memref_slice %arg6[%dma_wait3A_196, %dma_wait3A_197, %dma_wait3A_198] : memref<3x32x1024xf32, #tpu.memory_space<vmem>> -> memref<1x32x1024xf32, #tpu.memory_space<vmem>>
    %dma_wait3A_200 = tpu.memref_squeeze %dma_wait3A_199 : memref<1x32x1024xf32, #tpu.memory_space<vmem>> -> memref<32x1024xf32, #tpu.memory_space<vmem>>
    %dma_wait3A_201 = arith.constant 0 : i32
    %dma_wait3A_202 = tpu.memref_slice %arg4[%select_n3A, %add3A_101, %dma_wait3A_201] : memref<4x1024x1024xf32, #tpu.memory_space<hbm>> -> memref<1x32x1024xf32, #tpu.memory_space<hbm>>
    %dma_wait3A_203 = tpu.memref_squeeze %dma_wait3A_202 : memref<1x32x1024xf32, #tpu.memory_space<hbm>> -> memref<32x1024xf32, #tpu.memory_space<hbm>>
    %dma_wait3A_204 = arith.constant 0 : i32
    %dma_wait3A_205 = tpu.memref_slice %arg4[%select_n3A, %add3A_101, %dma_wait3A_204] : memref<4x1024x1024xf32, #tpu.memory_space<hbm>> -> memref<1x32x1024xf32, #tpu.memory_space<hbm>>
    %dma_wait3A_206 = tpu.memref_squeeze %dma_wait3A_205 : memref<1x32x1024xf32, #tpu.memory_space<hbm>> -> memref<32x1024xf32, #tpu.memory_space<hbm>>
    %dma_wait3A_207 = arith.constant 0 : i32
    %dma_wait3A_208 = arith.constant 0 : i32
    %dma_wait3A_209 = tpu.memref_slice %arg6[%dma_wait3A_196, %dma_wait3A_207, %dma_wait3A_208] : memref<3x32x1024xf32, #tpu.memory_space<vmem>> -> memref<1x32x1024xf32, #tpu.memory_space<vmem>>
    %dma_wait3A_210 = tpu.memref_squeeze %dma_wait3A_209 : memref<1x32x1024xf32, #tpu.memory_space<vmem>> -> memref<32x1024xf32, #tpu.memory_space<vmem>>
    tpu.wait_dma2 semaphore(%arg8 : memref<!tpu.dma_semaphore, #tpu.memory_space<semaphore_mem>>) src(%dma_wait3A_210 : memref<32x1024xf32, #tpu.memory_space<vmem>>) dst(%dma_wait3A_206 : memref<32x1024xf32, #tpu.memory_space<hbm>>)
    %dma_wait3A_211 = arith.constant 2 : i32
    %dma_wait3A_212 = arith.constant 0 : i32
    %dma_wait3A_213 = arith.constant 0 : i32
    %dma_wait3A_214 = tpu.memref_slice %arg6[%dma_wait3A_211, %dma_wait3A_212, %dma_wait3A_213] : memref<3x32x1024xf32, #tpu.memory_space<vmem>> -> memref<1x32x1024xf32, #tpu.memory_space<vmem>>
    %dma_wait3A_215 = tpu.memref_squeeze %dma_wait3A_214 : memref<1x32x1024xf32, #tpu.memory_space<vmem>> -> memref<32x1024xf32, #tpu.memory_space<vmem>>
    %dma_wait3A_216 = arith.constant 0 : i32
    %dma_wait3A_217 = tpu.memref_slice %arg4[%select_n3A, %add3A_128, %dma_wait3A_216] : memref<4x1024x1024xf32, #tpu.memory_space<hbm>> -> memref<1x32x1024xf32, #tpu.memory_space<hbm>>
    %dma_wait3A_218 = tpu.memref_squeeze %dma_wait3A_217 : memref<1x32x1024xf32, #tpu.memory_space<hbm>> -> memref<32x1024xf32, #tpu.memory_space<hbm>>
    %dma_wait3A_219 = arith.constant 0 : i32
    %dma_wait3A_220 = tpu.memref_slice %arg4[%select_n3A, %add3A_128, %dma_wait3A_219] : memref<4x1024x1024xf32, #tpu.memory_space<hbm>> -> memref<1x32x1024xf32, #tpu.memory_space<hbm>>
    %dma_wait3A_221 = tpu.memref_squeeze %dma_wait3A_220 : memref<1x32x1024xf32, #tpu.memory_space<hbm>> -> memref<32x1024xf32, #tpu.memory_space<hbm>>
    %dma_wait3A_222 = arith.constant 0 : i32
    %dma_wait3A_223 = arith.constant 0 : i32
    %dma_wait3A_224 = tpu.memref_slice %arg6[%dma_wait3A_211, %dma_wait3A_222, %dma_wait3A_223] : memref<3x32x1024xf32, #tpu.memory_space<vmem>> -> memref<1x32x1024xf32, #tpu.memory_space<vmem>>
    %dma_wait3A_225 = tpu.memref_squeeze %dma_wait3A_224 : memref<1x32x1024xf32, #tpu.memory_space<vmem>> -> memref<32x1024xf32, #tpu.memory_space<vmem>>
    tpu.wait_dma2 semaphore(%arg8 : memref<!tpu.dma_semaphore, #tpu.memory_space<semaphore_mem>>) src(%dma_wait3A_225 : memref<32x1024xf32, #tpu.memory_space<vmem>>) dst(%dma_wait3A_221 : memref<32x1024xf32, #tpu.memory_space<hbm>>)
    %dma_wait3A_226 = arith.constant 0 : i32
    %dma_wait3A_227 = arith.constant 0 : i32
    %dma_wait3A_228 = arith.constant 0 : i32
    %dma_wait3A_229 = tpu.memref_slice %arg6[%dma_wait3A_226, %dma_wait3A_227, %dma_wait3A_228] : memref<3x32x1024xf32, #tpu.memory_space<vmem>> -> memref<1x32x1024xf32, #tpu.memory_space<vmem>>
    %dma_wait3A_230 = tpu.memref_squeeze %dma_wait3A_229 : memref<1x32x1024xf32, #tpu.memory_space<vmem>> -> memref<32x1024xf32, #tpu.memory_space<vmem>>
    %dma_wait3A_231 = arith.constant 0 : i32
    %dma_wait3A_232 = tpu.memref_slice %arg4[%select_n3A, %add3A_180, %dma_wait3A_231] : memref<4x1024x1024xf32, #tpu.memory_space<hbm>> -> memref<1x32x1024xf32, #tpu.memory_space<hbm>>
    %dma_wait3A_233 = tpu.memref_squeeze %dma_wait3A_232 : memref<1x32x1024xf32, #tpu.memory_space<hbm>> -> memref<32x1024xf32, #tpu.memory_space<hbm>>
    %dma_wait3A_234 = arith.constant 0 : i32
    %dma_wait3A_235 = tpu.memref_slice %arg4[%select_n3A, %add3A_180, %dma_wait3A_234] : memref<4x1024x1024xf32, #tpu.memory_space<hbm>> -> memref<1x32x1024xf32, #tpu.memory_space<hbm>>
    %dma_wait3A_236 = tpu.memref_squeeze %dma_wait3A_235 : memref<1x32x1024xf32, #tpu.memory_space<hbm>> -> memref<32x1024xf32, #tpu.memory_space<hbm>>
    %dma_wait3A_237 = arith.constant 0 : i32
    %dma_wait3A_238 = arith.constant 0 : i32
    %dma_wait3A_239 = tpu.memref_slice %arg6[%dma_wait3A_226, %dma_wait3A_237, %dma_wait3A_238] : memref<3x32x1024xf32, #tpu.memory_space<vmem>> -> memref<1x32x1024xf32, #tpu.memory_space<vmem>>
    %dma_wait3A_240 = tpu.memref_squeeze %dma_wait3A_239 : memref<1x32x1024xf32, #tpu.memory_space<vmem>> -> memref<32x1024xf32, #tpu.memory_space<vmem>>
    tpu.wait_dma2 semaphore(%arg8 : memref<!tpu.dma_semaphore, #tpu.memory_space<semaphore_mem>>) src(%dma_wait3A_240 : memref<32x1024xf32, #tpu.memory_space<vmem>>) dst(%dma_wait3A_236 : memref<32x1024xf32, #tpu.memory_space<hbm>>)
    return
  }
}

#map = affine_map<(d0, d1) -> (0)>
#map1 = affine_map<(d0, d1) -> (0, 0)>
#map2 = affine_map<(d0, d1) -> (0, 0, 0)>
module attributes {stable_mosaic.version = 14 : i64} {
  func.func @_gather_rows(%arg0: i32, %arg1: i32, %arg2: memref<4096xi32, #tpu.memory_space<hbm>>, %arg3: memref<1000x1024xf32, #tpu.memory_space<hbm>>, %arg4: memref<4x1024x1024xf32, #tpu.memory_space<hbm>>, %arg5: memref<128xi32, #tpu.memory_space<vmem>>, %arg6: memref<3x32x1024xf32, #tpu.memory_space<vmem>>, %arg7: memref<!tpu.dma_semaphore, #tpu.memory_space<semaphore_mem>>, %arg8: memref<!tpu.dma_semaphore, #tpu.memory_space<semaphore_mem>>) attributes {dimension_semantics = [#tpu.dimension_semantics<core_parallel>, #tpu.dimension_semantics<subcore_parallel>], iteration_bounds = array<i64: 2, 16>, scalar_prefetch = 0 : i64, scratch_operands = 4 : i64, tpu.core_type = #tpu.core_type<sc_vector_subcore>, window_params = [{transform_indices = #map}, {transform_indices = #map1}, {transform_indices = #map2}]} {
    %mul3A = arith.constant 2 : i32
    %mul3A_0 = arith.muli %arg1, %mul3A : i32
    %add3A = arith.addi %mul3A_0, %arg0 : i32
    %jit3A = arith.constant 8 : i32
    %div3A = arith.divsi %add3A, %jit3A : i32
    %sign3A = arith.constant 0 : i32
    %sign3A_1 = arith.cmpi sgt, %add3A, %sign3A : i32
    %sign3A_2 = arith.extui %sign3A_1 : i1 to i32
    %sign3A_3 = arith.constant 0 : i32
    %sign3A_4 = arith.cmpi slt, %add3A, %sign3A_3 : i32
    %sign3A_5 = arith.extui %sign3A_4 : i1 to i32
    %sign3A_6 = arith.subi %sign3A_2, %sign3A_5 : i32
    %sign3A_7 = arith.constant 0 : i32
    %sign3A_8 = arith.cmpi sgt, %jit3A, %sign3A_7 : i32
    %sign3A_9 = arith.extui %sign3A_8 : i1 to i32
    %sign3A_10 = arith.constant 0 : i32
    %sign3A_11 = arith.cmpi slt, %jit3A, %sign3A_10 : i32
    %sign3A_12 = arith.extui %sign3A_11 : i1 to i32
    %sign3A_13 = arith.subi %sign3A_9, %sign3A_12 : i32
    %ne3A = arith.cmpi ne, %sign3A_6, %sign3A_13 : i32
    %rem3A = arith.remsi %add3A, %jit3A : i32
    %ne3A_14 = arith.constant 0 : i32
    %ne3A_15 = arith.cmpi ne, %rem3A, %ne3A_14 : i32
    %and3A = arith.andi %ne3A, %ne3A_15 : i1
    %sub3A = arith.constant 1 : i32
    %sub3A_16 = arith.subi %div3A, %sub3A : i32
    %select_n3A = arith.select %and3A, %sub3A_16, %div3A : i32
    %jit3A_17 = arith.constant 8 : i32
    %eq3A = arith.constant 0 : i32
    %eq3A_18 = arith.cmpi eq, %jit3A_17, %eq3A : i32
    %jit3A_19 = arith.constant 1 : i32
    %select_n3A_20 = arith.select %eq3A_18, %jit3A_19, %jit3A_17 : i32
    %rem3A_21 = arith.remsi %add3A, %select_n3A_20 : i32
    %ne3A_22 = arith.constant 0 : i32
    %ne3A_23 = arith.cmpi ne, %rem3A_21, %ne3A_22 : i32
    %lt3A = arith.constant 0 : i32
    %lt3A_24 = arith.cmpi slt, %rem3A_21, %lt3A : i32
    %lt3A_25 = arith.constant 0 : i32
    %lt3A_26 = arith.cmpi slt, %select_n3A_20, %lt3A_25 : i32
    %ne3A_27 = arith.xori %lt3A_24, %lt3A_26 : i1
    %and3A_28 = arith.andi %ne3A_27, %ne3A_23 : i1
    %add3A_29 = arith.addi %rem3A_21, %select_n3A_20 : i32
    %select_n3A_30 = arith.select %and3A_28, %add3A_29, %rem3A_21 : i32
    %mul3A_31 = arith.constant 128 : i32
    %mul3A_32 = arith.muli %select_n3A_30, %mul3A_31 : i32
    %mul3A_33 = arith.constant 128 : i32
    %mul3A_34 = arith.muli %add3A, %mul3A_33 : i32
    "tpu.region"() ({
      %run_scoped3A = tpu.sem_alloc : memref<!tpu.dma_semaphore, #tpu.memory_space<semaphore_mem>>
      %dma_start3A_241 = tpu.memref_slice %arg2[%mul3A_34] : memref<4096xi32, #tpu.memory_space<hbm>> -> memref<128xi32, #tpu.memory_space<hbm>>
      %dma_start3A_242 = tpu.memref_slice %arg2[%mul3A_34] : memref<4096xi32, #tpu.memory_space<hbm>> -> memref<128xi32, #tpu.memory_space<hbm>>
      tpu.enqueue_dma source(%dma_start3A_242 : memref<128xi32, #tpu.memory_space<hbm>>) target(%arg5 : memref<128xi32, #tpu.memory_space<vmem>>) target_semaphore(%run_scoped3A : memref<!tpu.dma_semaphore, #tpu.memory_space<semaphore_mem>>)
      %dma_wait3A_243 = tpu.memref_slice %arg2[%mul3A_34] : memref<4096xi32, #tpu.memory_space<hbm>> -> memref<128xi32, #tpu.memory_space<hbm>>
      %dma_wait3A_244 = tpu.memref_slice %arg2[%mul3A_34] : memref<4096xi32, #tpu.memory_space<hbm>> -> memref<128xi32, #tpu.memory_space<hbm>>
      tpu.wait_dma2 semaphore(%run_scoped3A : memref<!tpu.dma_semaphore, #tpu.memory_space<semaphore_mem>>) src(%dma_wait3A_244 : memref<128xi32, #tpu.memory_space<hbm>>) dst(%arg5 : memref<128xi32, #tpu.memory_space<vmem>>)
      tpu.yield
    }) : () -> ()
    %dma_start3A = arith.constant 0 : i32
    %dma_start3A_35 = arith.constant 0 : i32
    %dma_start3A_36 = arith.constant 0 : i32
    %dma_start3A_37 = tpu.memref_slice %arg6[%dma_start3A, %dma_start3A_35, %dma_start3A_36] : memref<3x32x1024xf32, #tpu.memory_space<vmem>> -> memref<1x32x1024xf32, #tpu.memory_space<vmem>>
    %dma_start3A_38 = tpu.memref_squeeze %dma_start3A_37 : memref<1x32x1024xf32, #tpu.memory_space<vmem>> -> memref<32x1024xf32, #tpu.memory_space<vmem>>
    %dma_start3A_39 = arith.constant 0 : i32
    %dma_start3A_40 = tpu.memref_slice %arg5[%dma_start3A_39] : memref<128xi32, #tpu.memory_space<vmem>> -> memref<32xi32, #tpu.memory_space<vmem>>
    %dma_start3A_41 = arith.constant 0 : i32
    %dma_start3A_42 = arith.constant 0 : i32
    %dma_start3A_43 = tpu.memref_slice %arg3[%dma_start3A_41, %dma_start3A_42] : memref<1000x1024xf32, #tpu.memory_space<hbm>> -> memref<1000x1024xf32, #tpu.memory_space<hbm>>
    tpu.enqueue_indirect_dma source(%dma_start3A_43 : memref<1000x1024xf32, #tpu.memory_space<hbm>>) target(%dma_start3A_38 : memref<32x1024xf32, #tpu.memory_space<vmem>>) offsets(%dma_start3A_40 : memref<32xi32, #tpu.memory_space<vmem>>) semaphore(%arg7 : memref<!tpu.dma_semaphore, #tpu.memory_space<semaphore_mem>>)
    %dma_start3A_44 = arith.constant 1 : i32
    %dma_start3A_45 = arith.constant 0 : i32
    %dma_start3A_46 = arith.constant 0 : i32
    %dma_start3A_47 = tpu.memref_slice %arg6[%dma_start3A_44, %dma_start3A_45, %dma_start3A_46] : memref<3x32x1024xf32, #tpu.memory_space<vmem>> -> memref<1x32x1024xf32, #tpu.memory_space<vmem>>
    %dma_start3A_48 = tpu.memref_squeeze %dma_start3A_47 : memref<1x32x1024xf32, #tpu.memory_space<vmem>> -> memref<32x1024xf32, #tpu.memory_space<vmem>>
    %dma_start3A_49 = arith.constant 32 : i32
    %dma_start3A_50 = tpu.memref_slice %arg5[%dma_start3A_49] : memref<128xi32, #tpu.memory_space<vmem>> -> memref<32xi32, #tpu.memory_space<vmem>>
    %dma_start3A_51 = arith.constant 0 : i32
    %dma_start3A_52 = arith.constant 0 : i32
    %dma_start3A_53 = tpu.memref_slice %arg3[%dma_start3A_51, %dma_start3A_52] : memref<1000x1024xf32, #tpu.memory_space<hbm>> -> memref<1000x1024xf32, #tpu.memory_space<hbm>>
    tpu.enqueue_indirect_dma source(%dma_start3A_53 : memref<1000x1024xf32, #tpu.memory_space<hbm>>) target(%dma_start3A_48 : memref<32x1024xf32, #tpu.memory_space<vmem>>) offsets(%dma_start3A_50 : memref<32xi32, #tpu.memory_space<vmem>>) semaphore(%arg7 : memref<!tpu.dma_semaphore, #tpu.memory_space<semaphore_mem>>)
    %dma_start3A_54 = arith.constant 2 : i32
    %dma_start3A_55 = arith.constant 0 : i32
    %dma_start3A_56 = arith.constant 0 : i32
    %dma_start3A_57 = tpu.memref_slice %arg6[%dma_start3A_54, %dma_start3A_55, %dma_start3A_56] : memref<3x32x1024xf32, #tpu.memory_space<vmem>> -> memref<1x32x1024xf32, #tpu.memory_space<vmem>>
    %dma_start3A_58 = tpu.memref_squeeze %dma_start3A_57 : memref<1x32x1024xf32, #tpu.memory_space<vmem>> -> memref<32x1024xf32, #tpu.memory_space<vmem>>
    %dma_start3A_59 = arith.constant 64 : i32
    %dma_start3A_60 = tpu.memref_slice %arg5[%dma_start3A_59] : memref<128xi32, #tpu.memory_space<vmem>> -> memref<32xi32, #tpu.memory_space<vmem>>
    %dma_start3A_61 = arith.constant 0 : i32
    %dma_start3A_62 = arith.constant 0 : i32
    %dma_start3A_63 = tpu.memref_slice %arg3[%dma_start3A_61, %dma_start3A_62] : memref<1000x1024xf32, #tpu.memory_space<hbm>> -> memref<1000x1024xf32, #tpu.memory_space<hbm>>
    tpu.enqueue_indirect_dma source(%dma_start3A_63 : memref<1000x1024xf32, #tpu.memory_space<hbm>>) target(%dma_start3A_58 : memref<32x1024xf32, #tpu.memory_space<vmem>>) offsets(%dma_start3A_60 : memref<32xi32, #tpu.memory_space<vmem>>) semaphore(%arg7 : memref<!tpu.dma_semaphore, #tpu.memory_space<semaphore_mem>>)
    %dma_wait3A = arith.constant 0 : i32
    %dma_wait3A_64 = arith.constant 0 : i32
    %dma_wait3A_65 = arith.constant 0 : i32
    %dma_wait3A_66 = tpu.memref_slice %arg6[%dma_wait3A, %dma_wait3A_64, %dma_wait3A_65] : memref<3x32x1024xf32, #tpu.memory_space<vmem>> -> memref<1x32x1024xf32, #tpu.memory_space<vmem>>
    %dma_wait3A_67 = tpu.memref_squeeze %dma_wait3A_66 : memref<1x32x1024xf32, #tpu.memory_space<vmem>> -> memref<32x1024xf32, #tpu.memory_space<vmem>>
    %dma_wait3A_68 = arith.constant 0 : i32
    %dma_wait3A_69 = tpu.memref_slice %arg5[%dma_wait3A_68] : memref<128xi32, #tpu.memory_space<vmem>> -> memref<32xi32, #tpu.memory_space<vmem>>
    %dma_wait3A_70 = arith.constant 0 : i32
    %dma_wait3A_71 = arith.constant 0 : i32
    %dma_wait3A_72 = tpu.memref_slice %arg3[%dma_wait3A_70, %dma_wait3A_71] : memref<1000x1024xf32, #tpu.memory_space<hbm>> -> memref<1000x1024xf32, #tpu.memory_space<hbm>>
    tpu.wait_indirect_dma semaphore(%arg7 : memref<!tpu.dma_semaphore, #tpu.memory_space<semaphore_mem>>) src(%dma_wait3A_72 : memref<1000x1024xf32, #tpu.memory_space<hbm>>) dst(%dma_wait3A_67 : memref<32x1024xf32, #tpu.memory_space<vmem>>)
    %add3A_73 = arith.constant 0 : i32
    %add3A_74 = arith.addi %mul3A_32, %add3A_73 : i32
    %dma_start3A_75 = arith.constant 0 : i32
    %dma_start3A_76 = arith.constant 0 : i32
    %dma_start3A_77 = arith.constant 0 : i32
    %dma_start3A_78 = tpu.memref_slice %arg6[%dma_start3A_75, %dma_start3A_76, %dma_start3A_77] : memref<3x32x1024xf32, #tpu.memory_space<vmem>> -> memref<1x32x1024xf32, #tpu.memory_space<vmem>>
    %dma_start3A_79 = tpu.memref_squeeze %dma_start3A_78 : memref<1x32x1024xf32, #tpu.memory_space<vmem>> -> memref<32x1024xf32, #tpu.memory_space<vmem>>
    %dma_start3A_80 = arith.constant 0 : i32
    %dma_start3A_81 = tpu.memref_slice %arg4[%select_n3A, %add3A_74, %dma_start3A_80] : memref<4x1024x1024xf32, #tpu.memory_space<hbm>> -> memref<1x32x1024xf32, #tpu.memory_space<hbm>>
    %dma_start3A_82 = tpu.memref_squeeze %dma_start3A_81 : memref<1x32x1024xf32, #tpu.memory_space<hbm>> -> memref<32x1024xf32, #tpu.memory_space<hbm>>
    %dma_start3A_83 = arith.constant 0 : i32
    %dma_start3A_84 = tpu.memref_slice %arg4[%select_n3A, %add3A_74, %dma_start3A_83] : memref<4x1024x1024xf32, #tpu.memory_space<hbm>> -> memref<1x32x1024xf32, #tpu.memory_space<hbm>>
    %dma_start3A_85 = tpu.memref_squeeze %dma_start3A_84 : memref<1x32x1024xf32, #tpu.memory_space<hbm>> -> memref<32x1024xf32, #tpu.memory_space<hbm>>
    %dma_start3A_86 = arith.constant 0 : i32
    %dma_start3A_87 = arith.constant 0 : i32
    %dma_start3A_88 = tpu.memref_slice %arg6[%dma_start3A_75, %dma_start3A_86, %dma_start3A_87] : memref<3x32x1024xf32, #tpu.memory_space<vmem>> -> memref<1x32x1024xf32, #tpu.memory_space<vmem>>
    %dma_start3A_89 = tpu.memref_squeeze %dma_start3A_88 : memref<1x32x1024xf32, #tpu.memory_space<vmem>> -> memref<32x1024xf32, #tpu.memory_space<vmem>>
    tpu.enqueue_dma source(%dma_start3A_89 : memref<32x1024xf32, #tpu.memory_space<vmem>>) target(%dma_start3A_85 : memref<32x1024xf32, #tpu.memory_space<hbm>>) target_semaphore(%arg8 : memref<!tpu.dma_semaphore, #tpu.memory_space<semaphore_mem>>)
    %dma_wait3A_90 = arith.constant 1 : i32
    %dma_wait3A_91 = arith.constant 0 : i32
    %dma_wait3A_92 = arith.constant 0 : i32
    %dma_wait3A_93 = tpu.memref_slice %arg6[%dma_wait3A_90, %dma_wait3A_91, %dma_wait3A_92] : memref<3x32x1024xf32, #tpu.memory_space<vmem>> -> memref<1x32x1024xf32, #tpu.memory_space<vmem>>
    %dma_wait3A_94 = tpu.memref_squeeze %dma_wait3A_93 : memref<1x32x1024xf32, #tpu.memory_space<vmem>> -> memref<32x1024xf32, #tpu.memory_space<vmem>>
    %dma_wait3A_95 = arith.constant 32 : i32
    %dma_wait3A_96 = tpu.memref_slice %arg5[%dma_wait3A_95] : memref<128xi32, #tpu.memory_space<vmem>> -> memref<32xi32, #tpu.memory_space<vmem>>
    %dma_wait3A_97 = arith.constant 0 : i32
    %dma_wait3A_98 = arith.constant 0 : i32
    %dma_wait3A_99 = tpu.memref_slice %arg3[%dma_wait3A_97, %dma_wait3A_98] : memref<1000x1024xf32, #tpu.memory_space<hbm>> -> memref<1000x1024xf32, #tpu.memory_space<hbm>>
    tpu.wait_indirect_dma semaphore(%arg7 : memref<!tpu.dma_semaphore, #tpu.memory_space<semaphore_mem>>) src(%dma_wait3A_99 : memref<1000x1024xf32, #tpu.memory_space<hbm>>) dst(%dma_wait3A_94 : memref<32x1024xf32, #tpu.memory_space<vmem>>)
    %add3A_100 = arith.constant 32 : i32
    %add3A_101 = arith.addi %mul3A_32, %add3A_100 : i32
    %dma_start3A_102 = arith.constant 1 : i32
    %dma_start3A_103 = arith.constant 0 : i32
    %dma_start3A_104 = arith.constant 0 : i32
    %dma_start3A_105 = tpu.memref_slice %arg6[%dma_start3A_102, %dma_start3A_103, %dma_start3A_104] : memref<3x32x1024xf32, #tpu.memory_space<vmem>> -> memref<1x32x1024xf32, #tpu.memory_space<vmem>>
    %dma_start3A_106 = tpu.memref_squeeze %dma_start3A_105 : memref<1x32x1024xf32, #tpu.memory_space<vmem>> -> memref<32x1024xf32, #tpu.memory_space<vmem>>
    %dma_start3A_107 = arith.constant 0 : i32
    %dma_start3A_108 = tpu.memref_slice %arg4[%select_n3A, %add3A_101, %dma_start3A_107] : memref<4x1024x1024xf32, #tpu.memory_space<hbm>> -> memref<1x32x1024xf32, #tpu.memory_space<hbm>>
    %dma_start3A_109 = tpu.memref_squeeze %dma_start3A_108 : memref<1x32x1024xf32, #tpu.memory_space<hbm>> -> memref<32x1024xf32, #tpu.memory_space<hbm>>
    %dma_start3A_110 = arith.constant 0 : i32
    %dma_start3A_111 = tpu.memref_slice %arg4[%select_n3A, %add3A_101, %dma_start3A_110] : memref<4x1024x1024xf32, #tpu.memory_space<hbm>> -> memref<1x32x1024xf32, #tpu.memory_space<hbm>>
    %dma_start3A_112 = tpu.memref_squeeze %dma_start3A_111 : memref<1x32x1024xf32, #tpu.memory_space<hbm>> -> memref<32x1024xf32, #tpu.memory_space<hbm>>
    %dma_start3A_113 = arith.constant 0 : i32
    %dma_start3A_114 = arith.constant 0 : i32
    %dma_start3A_115 = tpu.memref_slice %arg6[%dma_start3A_102, %dma_start3A_113, %dma_start3A_114] : memref<3x32x1024xf32, #tpu.memory_space<vmem>> -> memref<1x32x1024xf32, #tpu.memory_space<vmem>>
    %dma_start3A_116 = tpu.memref_squeeze %dma_start3A_115 : memref<1x32x1024xf32, #tpu.memory_space<vmem>> -> memref<32x1024xf32, #tpu.memory_space<vmem>>
    tpu.enqueue_dma source(%dma_start3A_116 : memref<32x1024xf32, #tpu.memory_space<vmem>>) target(%dma_start3A_112 : memref<32x1024xf32, #tpu.memory_space<hbm>>) target_semaphore(%arg8 : memref<!tpu.dma_semaphore, #tpu.memory_space<semaphore_mem>>)
    %dma_wait3A_117 = arith.constant 2 : i32
    %dma_wait3A_118 = arith.constant 0 : i32
    %dma_wait3A_119 = arith.constant 0 : i32
    %dma_wait3A_120 = tpu.memref_slice %arg6[%dma_wait3A_117, %dma_wait3A_118, %dma_wait3A_119] : memref<3x32x1024xf32, #tpu.memory_space<vmem>> -> memref<1x32x1024xf32, #tpu.memory_space<vmem>>
    %dma_wait3A_121 = tpu.memref_squeeze %dma_wait3A_120 : memref<1x32x1024xf32, #tpu.memory_space<vmem>> -> memref<32x1024xf32, #tpu.memory_space<vmem>>
    %dma_wait3A_122 = arith.constant 64 : i32
    %dma_wait3A_123 = tpu.memref_slice %arg5[%dma_wait3A_122] : memref<128xi32, #tpu.memory_space<vmem>> -> memref<32xi32, #tpu.memory_space<vmem>>
    %dma_wait3A_124 = arith.constant 0 : i32
    %dma_wait3A_125 = arith.constant 0 : i32
    %dma_wait3A_126 = tpu.memref_slice %arg3[%dma_wait3A_124, %dma_wait3A_125] : memref<1000x1024xf32, #tpu.memory_space<hbm>> -> memref<1000x1024xf32, #tpu.memory_space<hbm>>
    tpu.wait_indirect_dma semaphore(%arg7 : memref<!tpu.dma_semaphore, #tpu.memory_space<semaphore_mem>>) src(%dma_wait3A_126 : memref<1000x1024xf32, #tpu.memory_space<hbm>>) dst(%dma_wait3A_121 : memref<32x1024xf32, #tpu.memory_space<vmem>>)
    %add3A_127 = arith.constant 64 : i32
    %add3A_128 = arith.addi %mul3A_32, %add3A_127 : i32
    %dma_start3A_129 = arith.constant 2 : i32
    %dma_start3A_130 = arith.constant 0 : i32
    %dma_start3A_131 = arith.constant 0 : i32
    %dma_start3A_132 = tpu.memref_slice %arg6[%dma_start3A_129, %dma_start3A_130, %dma_start3A_131] : memref<3x32x1024xf32, #tpu.memory_space<vmem>> -> memref<1x32x1024xf32, #tpu.memory_space<vmem>>
    %dma_start3A_133 = tpu.memref_squeeze %dma_start3A_132 : memref<1x32x1024xf32, #tpu.memory_space<vmem>> -> memref<32x1024xf32, #tpu.memory_space<vmem>>
    %dma_start3A_134 = arith.constant 0 : i32
    %dma_start3A_135 = tpu.memref_slice %arg4[%select_n3A, %add3A_128, %dma_start3A_134] : memref<4x1024x1024xf32, #tpu.memory_space<hbm>> -> memref<1x32x1024xf32, #tpu.memory_space<hbm>>
    %dma_start3A_136 = tpu.memref_squeeze %dma_start3A_135 : memref<1x32x1024xf32, #tpu.memory_space<hbm>> -> memref<32x1024xf32, #tpu.memory_space<hbm>>
    %dma_start3A_137 = arith.constant 0 : i32
    %dma_start3A_138 = tpu.memref_slice %arg4[%select_n3A, %add3A_128, %dma_start3A_137] : memref<4x1024x1024xf32, #tpu.memory_space<hbm>> -> memref<1x32x1024xf32, #tpu.memory_space<hbm>>
    %dma_start3A_139 = tpu.memref_squeeze %dma_start3A_138 : memref<1x32x1024xf32, #tpu.memory_space<hbm>> -> memref<32x1024xf32, #tpu.memory_space<hbm>>
    %dma_start3A_140 = arith.constant 0 : i32
    %dma_start3A_141 = arith.constant 0 : i32
    %dma_start3A_142 = tpu.memref_slice %arg6[%dma_start3A_129, %dma_start3A_140, %dma_start3A_141] : memref<3x32x1024xf32, #tpu.memory_space<vmem>> -> memref<1x32x1024xf32, #tpu.memory_space<vmem>>
    %dma_start3A_143 = tpu.memref_squeeze %dma_start3A_142 : memref<1x32x1024xf32, #tpu.memory_space<vmem>> -> memref<32x1024xf32, #tpu.memory_space<vmem>>
    tpu.enqueue_dma source(%dma_start3A_143 : memref<32x1024xf32, #tpu.memory_space<vmem>>) target(%dma_start3A_139 : memref<32x1024xf32, #tpu.memory_space<hbm>>) target_semaphore(%arg8 : memref<!tpu.dma_semaphore, #tpu.memory_space<semaphore_mem>>)
    %dma_wait3A_144 = arith.constant 0 : i32
    %dma_wait3A_145 = arith.constant 0 : i32
    %dma_wait3A_146 = arith.constant 0 : i32
    %dma_wait3A_147 = tpu.memref_slice %arg6[%dma_wait3A_144, %dma_wait3A_145, %dma_wait3A_146] : memref<3x32x1024xf32, #tpu.memory_space<vmem>> -> memref<1x32x1024xf32, #tpu.memory_space<vmem>>
    %dma_wait3A_148 = tpu.memref_squeeze %dma_wait3A_147 : memref<1x32x1024xf32, #tpu.memory_space<vmem>> -> memref<32x1024xf32, #tpu.memory_space<vmem>>
    %dma_wait3A_149 = arith.constant 0 : i32
    %dma_wait3A_150 = tpu.memref_slice %arg4[%select_n3A, %add3A_74, %dma_wait3A_149] : memref<4x1024x1024xf32, #tpu.memory_space<hbm>> -> memref<1x32x1024xf32, #tpu.memory_space<hbm>>
    %dma_wait3A_151 = tpu.memref_squeeze %dma_wait3A_150 : memref<1x32x1024xf32, #tpu.memory_space<hbm>> -> memref<32x1024xf32, #tpu.memory_space<hbm>>
    %dma_wait3A_152 = arith.constant 0 : i32
    %dma_wait3A_153 = tpu.memref_slice %arg4[%select_n3A, %add3A_74, %dma_wait3A_152] : memref<4x1024x1024xf32, #tpu.memory_space<hbm>> -> memref<1x32x1024xf32, #tpu.memory_space<hbm>>
    %dma_wait3A_154 = tpu.memref_squeeze %dma_wait3A_153 : memref<1x32x1024xf32, #tpu.memory_space<hbm>> -> memref<32x1024xf32, #tpu.memory_space<hbm>>
    %dma_wait3A_155 = arith.constant 0 : i32
    %dma_wait3A_156 = arith.constant 0 : i32
    %dma_wait3A_157 = tpu.memref_slice %arg6[%dma_wait3A_144, %dma_wait3A_155, %dma_wait3A_156] : memref<3x32x1024xf32, #tpu.memory_space<vmem>> -> memref<1x32x1024xf32, #tpu.memory_space<vmem>>
    %dma_wait3A_158 = tpu.memref_squeeze %dma_wait3A_157 : memref<1x32x1024xf32, #tpu.memory_space<vmem>> -> memref<32x1024xf32, #tpu.memory_space<vmem>>
    tpu.wait_dma2 semaphore(%arg8 : memref<!tpu.dma_semaphore, #tpu.memory_space<semaphore_mem>>) src(%dma_wait3A_158 : memref<32x1024xf32, #tpu.memory_space<vmem>>) dst(%dma_wait3A_154 : memref<32x1024xf32, #tpu.memory_space<hbm>>)
    %dma_start3A_159 = arith.constant 0 : i32
    %dma_start3A_160 = arith.constant 0 : i32
    %dma_start3A_161 = arith.constant 0 : i32
    %dma_start3A_162 = tpu.memref_slice %arg6[%dma_start3A_159, %dma_start3A_160, %dma_start3A_161] : memref<3x32x1024xf32, #tpu.memory_space<vmem>> -> memref<1x32x1024xf32, #tpu.memory_space<vmem>>
    %dma_start3A_163 = tpu.memref_squeeze %dma_start3A_162 : memref<1x32x1024xf32, #tpu.memory_space<vmem>> -> memref<32x1024xf32, #tpu.memory_space<vmem>>
    %dma_start3A_164 = arith.constant 96 : i32
    %dma_start3A_165 = tpu.memref_slice %arg5[%dma_start3A_164] : memref<128xi32, #tpu.memory_space<vmem>> -> memref<32xi32, #tpu.memory_space<vmem>>
    %dma_start3A_166 = arith.constant 0 : i32
    %dma_start3A_167 = arith.constant 0 : i32
    %dma_start3A_168 = tpu.memref_slice %arg3[%dma_start3A_166, %dma_start3A_167] : memref<1000x1024xf32, #tpu.memory_space<hbm>> -> memref<1000x1024xf32, #tpu.memory_space<hbm>>
    tpu.enqueue_indirect_dma source(%dma_start3A_168 : memref<1000x1024xf32, #tpu.memory_space<hbm>>) target(%dma_start3A_163 : memref<32x1024xf32, #tpu.memory_space<vmem>>) offsets(%dma_start3A_165 : memref<32xi32, #tpu.memory_space<vmem>>) semaphore(%arg7 : memref<!tpu.dma_semaphore, #tpu.memory_space<semaphore_mem>>)
    %dma_wait3A_169 = arith.constant 0 : i32
    %dma_wait3A_170 = arith.constant 0 : i32
    %dma_wait3A_171 = arith.constant 0 : i32
    %dma_wait3A_172 = tpu.memref_slice %arg6[%dma_wait3A_169, %dma_wait3A_170, %dma_wait3A_171] : memref<3x32x1024xf32, #tpu.memory_space<vmem>> -> memref<1x32x1024xf32, #tpu.memory_space<vmem>>
    %dma_wait3A_173 = tpu.memref_squeeze %dma_wait3A_172 : memref<1x32x1024xf32, #tpu.memory_space<vmem>> -> memref<32x1024xf32, #tpu.memory_space<vmem>>
    %dma_wait3A_174 = arith.constant 96 : i32
    %dma_wait3A_175 = tpu.memref_slice %arg5[%dma_wait3A_174] : memref<128xi32, #tpu.memory_space<vmem>> -> memref<32xi32, #tpu.memory_space<vmem>>
    %dma_wait3A_176 = arith.constant 0 : i32
    %dma_wait3A_177 = arith.constant 0 : i32
    %dma_wait3A_178 = tpu.memref_slice %arg3[%dma_wait3A_176, %dma_wait3A_177] : memref<1000x1024xf32, #tpu.memory_space<hbm>> -> memref<1000x1024xf32, #tpu.memory_space<hbm>>
    tpu.wait_indirect_dma semaphore(%arg7 : memref<!tpu.dma_semaphore, #tpu.memory_space<semaphore_mem>>) src(%dma_wait3A_178 : memref<1000x1024xf32, #tpu.memory_space<hbm>>) dst(%dma_wait3A_173 : memref<32x1024xf32, #tpu.memory_space<vmem>>)
    %add3A_179 = arith.constant 96 : i32
    %add3A_180 = arith.addi %mul3A_32, %add3A_179 : i32
    %dma_start3A_181 = arith.constant 0 : i32
    %dma_start3A_182 = arith.constant 0 : i32
    %dma_start3A_183 = arith.constant 0 : i32
    %dma_start3A_184 = tpu.memref_slice %arg6[%dma_start3A_181, %dma_start3A_182, %dma_start3A_183] : memref<3x32x1024xf32, #tpu.memory_space<vmem>> -> memref<1x32x1024xf32, #tpu.memory_space<vmem>>
    %dma_start3A_185 = tpu.memref_squeeze %dma_start3A_184 : memref<1x32x1024xf32, #tpu.memory_space<vmem>> -> memref<32x1024xf32, #tpu.memory_space<vmem>>
    %dma_start3A_186 = arith.constant 0 : i32
    %dma_start3A_187 = tpu.memref_slice %arg4[%select_n3A, %add3A_180, %dma_start3A_186] : memref<4x1024x1024xf32, #tpu.memory_space<hbm>> -> memref<1x32x1024xf32, #tpu.memory_space<hbm>>
    %dma_start3A_188 = tpu.memref_squeeze %dma_start3A_187 : memref<1x32x1024xf32, #tpu.memory_space<hbm>> -> memref<32x1024xf32, #tpu.memory_space<hbm>>
    %dma_start3A_189 = arith.constant 0 : i32
    %dma_start3A_190 = tpu.memref_slice %arg4[%select_n3A, %add3A_180, %dma_start3A_189] : memref<4x1024x1024xf32, #tpu.memory_space<hbm>> -> memref<1x32x1024xf32, #tpu.memory_space<hbm>>
    %dma_start3A_191 = tpu.memref_squeeze %dma_start3A_190 : memref<1x32x1024xf32, #tpu.memory_space<hbm>> -> memref<32x1024xf32, #tpu.memory_space<hbm>>
    %dma_start3A_192 = arith.constant 0 : i32
    %dma_start3A_193 = arith.constant 0 : i32
    %dma_start3A_194 = tpu.memref_slice %arg6[%dma_start3A_181, %dma_start3A_192, %dma_start3A_193] : memref<3x32x1024xf32, #tpu.memory_space<vmem>> -> memref<1x32x1024xf32, #tpu.memory_space<vmem>>
    %dma_start3A_195 = tpu.memref_squeeze %dma_start3A_194 : memref<1x32x1024xf32, #tpu.memory_space<vmem>> -> memref<32x1024xf32, #tpu.memory_space<vmem>>
    tpu.enqueue_dma source(%dma_start3A_195 : memref<32x1024xf32, #tpu.memory_space<vmem>>) target(%dma_start3A_191 : memref<32x1024xf32, #tpu.memory_space<hbm>>) target_semaphore(%arg8 : memref<!tpu.dma_semaphore, #tpu.memory_space<semaphore_mem>>)
    %dma_wait3A_196 = arith.constant 1 : i32
    %dma_wait3A_197 = arith.constant 0 : i32
    %dma_wait3A_198 = arith.constant 0 : i32
    %dma_wait3A_199 = tpu.memref_slice %arg6[%dma_wait3A_196, %dma_wait3A_197, %dma_wait3A_198] : memref<3x32x1024xf32, #tpu.memory_space<vmem>> -> memref<1x32x1024xf32, #tpu.memory_space<vmem>>
    %dma_wait3A_200 = tpu.memref_squeeze %dma_wait3A_199 : memref<1x32x1024xf32, #tpu.memory_space<vmem>> -> memref<32x1024xf32, #tpu.memory_space<vmem>>
    %dma_wait3A_201 = arith.constant 0 : i32
    %dma_wait3A_202 = tpu.memref_slice %arg4[%select_n3A, %add3A_101, %dma_wait3A_201] : memref<4x1024x1024xf32, #tpu.memory_space<hbm>> -> memref<1x32x1024xf32, #tpu.memory_space<hbm>>
    %dma_wait3A_203 = tpu.memref_squeeze %dma_wait3A_202 : memref<1x32x1024xf32, #tpu.memory_space<hbm>> -> memref<32x1024xf32, #tpu.memory_space<hbm>>
    %dma_wait3A_204 = arith.constant 0 : i32
    %dma_wait3A_205 = tpu.memref_slice %arg4[%select_n3A, %add3A_101, %dma_wait3A_204] : memref<4x1024x1024xf32, #tpu.memory_space<hbm>> -> memref<1x32x1024xf32, #tpu.memory_space<hbm>>
    %dma_wait3A_206 = tpu.memref_squeeze %dma_wait3A_205 : memref<1x32x1024xf32, #tpu.memory_space<hbm>> -> memref<32x1024xf32, #tpu.memory_space<hbm>>
    %dma_wait3A_207 = arith.constant 0 : i32
    %dma_wait3A_208 = arith.constant 0 : i32
    %dma_wait3A_209 = tpu.memref_slice %arg6[%dma_wait3A_196, %dma_wait3A_207, %dma_wait3A_208] : memref<3x32x1024xf32, #tpu.memory_space<vmem>> -> memref<1x32x1024xf32, #tpu.memory_space<vmem>>
    %dma_wait3A_210 = tpu.memref_squeeze %dma_wait3A_209 : memref<1x32x1024xf32, #tpu.memory_space<vmem>> -> memref<32x1024xf32, #tpu.memory_space<vmem>>
    tpu.wait_dma2 semaphore(%arg8 : memref<!tpu.dma_semaphore, #tpu.memory_space<semaphore_mem>>) src(%dma_wait3A_210 : memref<32x1024xf32, #tpu.memory_space<vmem>>) dst(%dma_wait3A_206 : memref<32x1024xf32, #tpu.memory_space<hbm>>)
    %dma_wait3A_211 = arith.constant 2 : i32
    %dma_wait3A_212 = arith.constant 0 : i32
    %dma_wait3A_213 = arith.constant 0 : i32
    %dma_wait3A_214 = tpu.memref_slice %arg6[%dma_wait3A_211, %dma_wait3A_212, %dma_wait3A_213] : memref<3x32x1024xf32, #tpu.memory_space<vmem>> -> memref<1x32x1024xf32, #tpu.memory_space<vmem>>
    %dma_wait3A_215 = tpu.memref_squeeze %dma_wait3A_214 : memref<1x32x1024xf32, #tpu.memory_space<vmem>> -> memref<32x1024xf32, #tpu.memory_space<vmem>>
    %dma_wait3A_216 = arith.constant 0 : i32
    %dma_wait3A_217 = tpu.memref_slice %arg4[%select_n3A, %add3A_128, %dma_wait3A_216] : memref<4x1024x1024xf32, #tpu.memory_space<hbm>> -> memref<1x32x1024xf32, #tpu.memory_space<hbm>>
    %dma_wait3A_218 = tpu.memref_squeeze %dma_wait3A_217 : memref<1x32x1024xf32, #tpu.memory_space<hbm>> -> memref<32x1024xf32, #tpu.memory_space<hbm>>
    %dma_wait3A_219 = arith.constant 0 : i32
    %dma_wait3A_220 = tpu.memref_slice %arg4[%select_n3A, %add3A_128, %dma_wait3A_219] : memref<4x1024x1024xf32, #tpu.memory_space<hbm>> -> memref<1x32x1024xf32, #tpu.memory_space<hbm>>
    %dma_wait3A_221 = tpu.memref_squeeze %dma_wait3A_220 : memref<1x32x1024xf32, #tpu.memory_space<hbm>> -> memref<32x1024xf32, #tpu.memory_space<hbm>>
    %dma_wait3A_222 = arith.constant 0 : i32
    %dma_wait3A_223 = arith.constant 0 : i32
    %dma_wait3A_224 = tpu.memref_slice %arg6[%dma_wait3A_211, %dma_wait3A_222, %dma_wait3A_223] : memref<3x32x1024xf32, #tpu.memory_space<vmem>> -> memref<1x32x1024xf32, #tpu.memory_space<vmem>>
    %dma_wait3A_225 = tpu.memref_squeeze %dma_wait3A_224 : memref<1x32x1024xf32, #tpu.memory_space<vmem>> -> memref<32x1024xf32, #tpu.memory_space<vmem>>
    tpu.wait_dma2 semaphore(%arg8 : memref<!tpu.dma_semaphore, #tpu.memory_space<semaphore_mem>>) src(%dma_wait3A_225 : memref<32x1024xf32, #tpu.memory_space<vmem>>) dst(%dma_wait3A_221 : memref<32x1024xf32, #tpu.memory_space<hbm>>)
    %dma_wait3A_226 = arith.constant 0 : i32
    %dma_wait3A_227 = arith.constant 0 : i32
    %dma_wait3A_228 = arith.constant 0 : i32
    %dma_wait3A_229 = tpu.memref_slice %arg6[%dma_wait3A_226, %dma_wait3A_227, %dma_wait3A_228] : memref<3x32x1024xf32, #tpu.memory_space<vmem>> -> memref<1x32x1024xf32, #tpu.memory_space<vmem>>
    %dma_wait3A_230 = tpu.memref_squeeze %dma_wait3A_229 : memref<1x32x1024xf32, #tpu.memory_space<vmem>> -> memref<32x1024xf32, #tpu.memory_space<vmem>>
    %dma_wait3A_231 = arith.constant 0 : i32
    %dma_wait3A_232 = tpu.memref_slice %arg4[%select_n3A, %add3A_180, %dma_wait3A_231] : memref<4x1024x1024xf32, #tpu.memory_space<hbm>> -> memref<1x32x1024xf32, #tpu.memory_space<hbm>>
    %dma_wait3A_233 = tpu.memref_squeeze %dma_wait3A_232 : memref<1x32x1024xf32, #tpu.memory_space<hbm>> -> memref<32x1024xf32, #tpu.memory_space<hbm>>
    %dma_wait3A_234 = arith.constant 0 : i32
    %dma_wait3A_235 = tpu.memref_slice %arg4[%select_n3A, %add3A_180, %dma_wait3A_234] : memref<4x1024x1024xf32, #tpu.memory_space<hbm>> -> memref<1x32x1024xf32, #tpu.memory_space<hbm>>
    %dma_wait3A_236 = tpu.memref_squeeze %dma_wait3A_235 : memref<1x32x1024xf32, #tpu.memory_space<hbm>> -> memref<32x1024xf32, #tpu.memory_space<hbm>>
    %dma_wait3A_237 = arith.constant 0 : i32
    %dma_wait3A_238 = arith.constant 0 : i32
    %dma_wait3A_239 = tpu.memref_slice %arg6[%dma_wait3A_226, %dma_wait3A_237, %dma_wait3A_238] : memref<3x32x1024xf32, #tpu.memory_space<vmem>> -> memref<1x32x1024xf32, #tpu.memory_space<vmem>>
    %dma_wait3A_240 = tpu.memref_squeeze %dma_wait3A_239 : memref<1x32x1024xf32, #tpu.memory_space<vmem>> -> memref<32x1024xf32, #tpu.memory_space<vmem>>
    tpu.wait_dma2 semaphore(%arg8 : memref<!tpu.dma_semaphore, #tpu.memory_space<semaphore_mem>>) src(%dma_wait3A_240 : memref<32x1024xf32, #tpu.memory_space<vmem>>) dst(%dma_wait3A_236 : memref<32x1024xf32, #tpu.memory_space<hbm>>)
    return
  }
}

module attributes {stable_mosaic.version = 14 : i64} {
  func.func @_transpose_body(%arg0: i32, %arg1: i32, %arg2: memref<1x512x1024xf32, #tpu.memory_space<vmem>>, %arg3: memref<1x1000x512xf32, #tpu.memory_space<vmem>>) attributes {dimension_semantics = [#tpu.dimension_semantics<arbitrary>, #tpu.dimension_semantics<arbitrary>], iteration_bounds = array<i64: 4, 2>, scalar_prefetch = 0 : i64, scratch_operands = 0 : i64, tpu.core_type = #tpu.core_type<tc>, window_params = [{transform_indices = @transform_0, window_bounds = array<i64: 1, 512, 1024>}, {transform_indices = @transform_1, window_bounds = array<i64: 1, 1000, 512>}]} {
    %get3A = arith.constant 0 : index
    %get3A_0 = arith.constant 0 : index
    %get3A_1 = arith.constant 0 : index
    %get3A_2 = vector.load %arg2[%get3A, %get3A_0, %get3A_1] : memref<1x512x1024xf32, #tpu.memory_space<vmem>>, vector<1x512x1024xf32>
    %get3A_3 = vector.shape_cast %get3A_2 : vector<1x512x1024xf32> to vector<512x1024xf32>
    %transpose3A = tpu.transpose %get3A_3, [1, 0] : vector<512x1024xf32> -> vector<1024x512xf32>
    %slice3A = vector.extract_strided_slice %transpose3A {offsets = [0, 0], sizes = [1000, 512], strides = [1, 1]} : vector<1024x512xf32> to vector<1000x512xf32>
    %broadcast_in_dim3A = vector.shape_cast %slice3A : vector<1000x512xf32> to vector<1x1000x512xf32>
    %swap3A = arith.constant 0 : index
    %swap3A_4 = arith.constant 0 : index
    %swap3A_5 = arith.constant 0 : index
    %swap3A_6 = vector.load %arg3[%swap3A, %swap3A_4, %swap3A_5] : memref<1x1000x512xf32, #tpu.memory_space<vmem>>, vector<1x1000x512xf32>
    tpu.vector_store %arg3[%swap3A, %swap3A_4, %swap3A_5], %broadcast_in_dim3A {strides = array<i32>} : memref<1x1000x512xf32, #tpu.memory_space<vmem>>, vector<1x1000x512xf32>,
    return
  }
  func.func @transform_0(%arg0: i32, %arg1: i32) -> (i32, i32, i32) {
    %c0_i32 = arith.constant 0 : i32
    %c0_i32_0 = arith.constant 0 : i32
    return %arg0, %arg1, %c0_i32 : i32, i32, i32
  }
  func.func @transform_1(%arg0: i32, %arg1: i32) -> (i32, i32, i32) {
    %add3A = arith.constant 0 : i32
    %add3A_0 = arith.addi %add3A, %arg1 : i32
    %c0_i32 = arith.constant 0 : i32
    %c0_i32_1 = arith.constant 0 : i32
    return %arg0, %c0_i32, %add3A_0 : i32, i32, i32
  }
}

module attributes {stable_mosaic.version = 14 : i64} {
  func.func @_transpose_body_acc(%arg0: i32, %arg1: i32, %arg2: memref<4x1000x2048xf32, #tpu.memory_space<hbm>>, %arg3: memref<1x512x1024xf32, #tpu.memory_space<vmem>>, %arg4: memref<1x1000x512xf32, #tpu.memory_space<vmem>>) attributes {dimension_semantics = [#tpu.dimension_semantics<arbitrary>, #tpu.dimension_semantics<arbitrary>], iteration_bounds = array<i64: 4, 2>, scalar_prefetch = 0 : i64, scratch_operands = 0 : i64, tpu.core_type = #tpu.core_type<tc>, window_params = [{}, {transform_indices = @transform_1, window_bounds = array<i64: 1, 512, 1024>}, {transform_indices = @transform_2, window_bounds = array<i64: 1, 1000, 512>}]} {
    %get3A = arith.constant 0 : index
    %get3A_0 = arith.constant 0 : index
    %get3A_1 = arith.constant 0 : index
    %get3A_2 = vector.load %arg3[%get3A, %get3A_0, %get3A_1] : memref<1x512x1024xf32, #tpu.memory_space<vmem>>, vector<1x512x1024xf32>
    %get3A_3 = vector.shape_cast %get3A_2 : vector<1x512x1024xf32> to vector<512x1024xf32>
    %transpose3A = tpu.transpose %get3A_3, [1, 0] : vector<512x1024xf32> -> vector<1024x512xf32>
    %slice3A = vector.extract_strided_slice %transpose3A {offsets = [0, 0], sizes = [1000, 512], strides = [1, 1]} : vector<1024x512xf32> to vector<1000x512xf32>
    %broadcast_in_dim3A = vector.shape_cast %slice3A : vector<1000x512xf32> to vector<1x1000x512xf32>
    %swap3A = arith.constant 0 : index
    %swap3A_4 = arith.constant 0 : index
    %swap3A_5 = arith.constant 0 : index
    %swap3A_6 = vector.load %arg4[%swap3A, %swap3A_4, %swap3A_5] : memref<1x1000x512xf32, #tpu.memory_space<vmem>>, vector<1x1000x512xf32>
    tpu.vector_store %arg4[%swap3A, %swap3A_4, %swap3A_5], %broadcast_in_dim3A {strides = array<i32>} : memref<1x1000x512xf32, #tpu.memory_space<vmem>>, vector<1x1000x512xf32>,
    return
  }
  func.func @transform_1(%arg0: i32, %arg1: i32) -> (i32, i32, i32) {
    %c0_i32 = arith.constant 0 : i32
    %c0_i32_0 = arith.constant 0 : i32
    return %arg0, %arg1, %c0_i32 : i32, i32, i32
  }
  func.func @transform_2(%arg0: i32, %arg1: i32) -> (i32, i32, i32) {
    %add3A = arith.constant 2 : i32
    %add3A_0 = arith.addi %add3A, %arg1 : i32
    %c0_i32 = arith.constant 0 : i32
    %c0_i32_1 = arith.constant 0 : i32
    return %arg0, %c0_i32, %add3A_0 : i32, i32, i32
  }
}

</mosaic_0001>

<sc_bundles>
// kernel: kernel.6.cloned.1.call-start
scs
__scs_entry_jumppad:
0x0: {  	(pc) =	sbr.rel $0x88, $3  }
0x1: {  	(tag) =	ssettag $0x0;
	lr =	simm.s32 $0x1  }
0x2: {  	[smem:$0x3F9F] =	sst lr;
	_ =	strace $0xD0000000  }
0x3: {  	_ = 	snop  }
0x4: {  	_ = 	snop  }
0x5: {  	_ = 	snop  }
0x6: {  	_ = 	snop  }
0x7: {  	_ = 	snop  }
__scs_overlays_trampoline_lowered:
0x8: {  	[smem:$0x3FAE] =	sst s0  }
0x9: {  	[smem:$0x3FAF] =	sst s1  }
0xa: {  	[smem:$0x3FB0] =	sst s2  }
0xb: {  	[smem:$0x3FB1] =	sst s3  }
0xc: {  	[smem:$0x3FB2] =	sst s4  }
0xd: {  	[smem:$0x3FB3] =	sst s5  }
0xe: {  	[smem:$0x3FB4] =	sst s6  }
0xf: {  	[smem:$0x3FB5] =	sst s7  }
0x10: {  	[smem:$0x3FB6] =	sst s8  }
0x11: {  	[smem:$0x3FB7] =	sst s9;
	s0 =	simm.s32 @!p0 $0x0  }
0x12: {  	s1 =	sld [smem:$0x3F9D];
	s0 =	simm.s32 @p0 $0x1  }
0x13: {  	[smem:$0x3FB8] =	sst s0;
	s0 =	simm.s32 @!p1 $0x0  }
0x14: {  	s2 =	sld [smem:$0x3F9C];
	s0 =	simm.s32 @p1 $0x1  }
0x15: {  	[smem:$0x3FB9] =	sst s0;
	s0 =	simm.s32 @!p2 $0x0  }
0x16: {  	s3 =	sld [smem:$0x3FDB];
	s0 =	simm.s32 @p2 $0x1  }
0x17: {  	s4 =	simm.s32 $0x1BF5;
	[smem:$0x3FBB] =	sst s0  }
0x18: {  	s0 =	sld [smem:$0x3F9E];
	_ =	swait.ge [sflag:s4], $0x0  }
0x19: {  	s7 =	sld [smem:$0x3F9F]  }
0x1a: {  	s8 =	sadd.s32 $0xFFFFE003, lr  }
0x1b: {  	s9 =	sadd.s32 $0xFFFFFEF7, lr;
	s5 =	simm.s32 $0xFFFFFFFF;
	p2 =	slt.u32 s8, $0xFFFFF086  }
0x1c: {  	p1 =	slt.u32 s9, $0xF7A;
	s5 =	simm.s32 @!p2 $0x0  }
0x1d: {  	s5 =	simm.s32 @p1 $0x1;
	p0 =	seq.s32 s7, s2  }
0x1e: {  	s7 =	smul.u32 @!p0 $0xF7A, s2;
	p2 =	seq.s32 @!p0 s5, $0x0  }
0x1f: {  	s9 =	smul.u32 $0xF7A, s1;
	s8 =	simm.s32 @!p0 $0x1BF5;
	p2 =	por !p2, p0  }
0x20: {  	[sflag:s8] =	ssyncset.s32 @!p0 $0xFFFFF086;
	s6 =	sadd.s32 @!p0 s3, s7;
	s7 =	simm.s32 @!p0 $0x108  }
0x21: {  	s3 =	sadd.s32 s3, s9;
	s6 =	sadd.s32 @!p0 $0x88, s6;
	s7 =	simm.s32 @p2 $0x1082  }
0x22: {  	[simem:s7], [sflag:s8] =	dma.local @!p0 [hbm:s6], $0xF7A  }
0x23: {  	s9 =	sor.u32 $0xD0000000, s2;
	s6 =	simm.s32 $0x108;
	_ =	swait.ge @!p0 [sflag:s8], $0x0  }
0x24: {  	s3 =	sadd.s32 $0x88, s3;
	s6 =	simm.s32 @!p1 $0x1082;
	[sflag:s4] =	ssyncset.s32 $0xFFFFF086  }
0x25: {  	[simem:s6], [sflag:s4] =	dma.local [hbm:s3], $0xF7A  }
0x26: {  	[smem:$0x3F9F] =	sst s1;
	(tag) =	ssettag s2;
	_ =	strace s9  }
0x27: {  	s1 =	sld [smem:$0x3FAF]  }
0x28: {  	s2 =	sld [smem:$0x3FB0]  }
0x29: {  	s4 =	sld [smem:$0x3FB2]  }
0x2a: {  	p0 =	seq.s32 s5, $0x0;
	s5 =	sld [smem:$0x3FB3]  }
0x2b: {  	s6 =	sld [smem:$0x3FB4]  }
0x2c: {  	s7 =	sld [smem:$0x3FB5]  }
0x2d: {  	s3 =	simm.s32 $0x108;
	s8 =	sld [smem:$0x3FB6]  }
0x2e: {  	s3 =	simm.s32 @!p0 $0x1082;
	s9 =	sld [smem:$0x3FB7]  }
0x2f: {  	lr =	sadd.s32 s0, s3;
	s0 =	sld [smem:$0x3FAE]  }
0x30: {  	s3 =	sld [smem:$0x3FB1]  }
0x31: {  	[smem:$0x3FBA] =	sst s10  }
0x32: {  	s10 =	sld [smem:$0x3FB8];
	_ =	sdelay $0x3  }
0x33: {  	p0 =	seq.s32 s10, $0x1;
	s10 =	sld [smem:$0x3FBA];
	_ =	sdelay $0x3  }
0x34: {  	[smem:$0x3FBA] =	sst s10  }
0x35: {  	s10 =	sld [smem:$0x3FB9];
	_ =	sdelay $0x3  }
0x36: {  	p1 =	seq.s32 s10, $0x1;
	s10 =	sld [smem:$0x3FBA];
	_ =	sdelay $0x3  }
0x37: {  	[smem:$0x3FBA] =	sst s10  }
0x38: {  	s10 =	sld [smem:$0x3FBB]  }
0x39: {  	_ = 	snop;
	(pc) =	sbr.ind lr, $3  }
0x3a: {  	_ = 	snop  }
0x3b: {  	_ = 	snop  }
0x3c: {  	p2 =	seq.s32 s10, $0x1;
	s10 =	sld [smem:$0x3FBA]  }
0x3d: {  	_ =	shalt  }
0x3e: {  	_ =	shalt  }
0x3f: {  	_ =	shalt  }
0x40: {  	_ =	shalt  }
0x41: {  	_ =	shalt  }
0x42: {  	_ =	shalt  }
0x43: {  	_ =	shalt  }
0x44: {  	_ =	shalt  }
0x45: {  	_ =	shalt  }
0x46: {  	_ =	shalt  }
0x47: {  	_ =	shalt  }
0x48: {  	_ =	shalt  }
0x49: {  	_ =	shalt  }
0x4a: {  	_ =	shalt  }
0x4b: {  	_ =	shalt  }
0x4c: {  	_ =	shalt  }
0x4d: {  	_ =	shalt  }
0x4e: {  	_ =	shalt  }
0x4f: {  	_ =	shalt  }
0x50: {  	_ =	shalt  }
0x51: {  	_ =	shalt  }
0x52: {  	_ =	shalt  }
0x53: {  	_ =	shalt  }
0x54: {  	_ =	shalt  }
0x55: {  	_ =	shalt  }
0x56: {  	_ =	shalt  }
0x57: {  	_ =	shalt  }
0x58: {  	_ =	shalt  }
0x59: {  	_ =	shalt  }
0x5a: {  	_ =	shalt  }
0x5b: {  	_ =	shalt  }
0x5c: {  	_ =	shalt  }
0x5d: {  	_ =	shalt  }
0x5e: {  	_ =	shalt  }
0x5f: {  	_ =	shalt  }
0x60: {  	_ =	shalt  }
0x61: {  	_ =	shalt  }
0x62: {  	_ =	shalt  }
0x63: {  	_ =	shalt  }
0x64: {  	_ =	shalt  }
0x65: {  	_ =	shalt  }
0x66: {  	_ =	shalt  }
0x67: {  	_ =	shalt  }
0x68: {  	_ =	shalt  }
0x69: {  	_ =	shalt  }
0x6a: {  	_ =	shalt  }
0x6b: {  	_ =	shalt  }
0x6c: {  	_ =	shalt  }
0x6d: {  	_ =	shalt  }
0x6e: {  	_ =	shalt  }
0x6f: {  	_ =	shalt  }
0x70: {  	_ =	shalt  }
0x71: {  	_ =	shalt  }
0x72: {  	_ =	shalt  }
0x73: {  	_ =	shalt  }
0x74: {  	_ =	shalt  }
0x75: {  	_ =	shalt  }
0x76: {  	_ =	shalt  }
0x77: {  	_ =	shalt  }
0x78: {  	_ =	shalt  }
0x79: {  	_ =	shalt  }
0x7a: {  	_ =	shalt  }
0x7b: {  	_ =	shalt  }
0x7c: {  	_ =	shalt  }
0x7d: {  	_ =	shalt  }
0x7e: {  	_ =	shalt  }
0x7f: {  	_ =	shalt  }
0x80: {  	_ =	shalt  }
0x81: {  	_ =	shalt  }
0x82: {  	_ =	shalt  }
0x83: {  	_ =	shalt  }
0x84: {  	_ =	shalt  }
0x85: {  	_ =	shalt  }
0x86: {  	_ =	shalt  }
0x87: {  	_ =	shalt  }
.Lfunc_end0:
.L_simem_size_0:
called_computation_lowered:
.L_overlay_start_0:
0x88: {  	s2 =	sld [smem:$0x3FD9]  }
0x89: {  	s3 =	sld [smem:$0x3FFE];
	_ =	sdelay $0x1  }
0x8a: {  	s1 =	srdreg.scid  }
0x8b: {  	s0 =	sand.u32 $0x1, s1  }
0x8c: {  	s17 =	sshll.u32 s0, $0xA;
	s2 =	sadd.s32 s3, s2  }
0x8d: {  	s2 =	sadd.s32 s2, s17  }
0x8e: {  	[smem:$0x3FC6] =	sst s2  }
0x8f: {  	_ = 	snop  }
0x90: {  	s2 =	sld [smem:$0x3FD0];
	(tm) =	ssettm $0x1  }
0x91: {  	s18 =	sld [smem:$0x3FFB];
	_ =	sdelay $0x3  }
0x92: {  	_ =	strace s18  }
0x93: {  	s3 =	sld [smem:$0x3FFC];
	_ =	sdelay $0x3  }
0x94: {  	_ =	strace s3  }
0x95: {  	s3 =	sld [smem:$0x3FFD];
	_ =	sdelay $0x3  }
0x96: {  	_ =	strace s3  }
0x97: {  	_ =	strace $0x8FFFFFFF  }
0x98: {  	s19 =	sld [smem:$0x3FDB];
	_ =	sdelay $0x1  }
0x99: {  	s4 =	simm.s32 $_scs_section_size  }
0x9a: {  	s5 =	simm.s32 $_size__tile_overlayer_lowered;
	s6 =	simm.s32 $_tile_overlayer_lowered  }
0x9b: {  	s22 =	simm.s32 $0x1BFF;
	s21 =	sshll.u32 s6, $0x1;
	s3 =	sadd.s32 s4, s19  }
0x9c: {  	s7 =	simm.s32 $0x0;
	s20 =	sshll.u32 s5, $0x1;
	s5 =	sadd.s32 s21, s3  }
0x9d: {  	[timem:s7], [sflag:s22] =	dma.local [hbm:s5], s20  }
0x9e: {  	_ =	swait.ge [sflag:s22], s20  }
0x9f: {  	s4 =	ssub.s32 $0x0, s20;
	[sflag:s22] =	ssyncset.done $0x0  }
0xa0: {  	[sflag:s22] =	ssyncadd.s32 s4;
	_ =	sdelay $0x1  }
0xa1: {  	s23 =	simm.s32 $0x1B8B  }
0xa2: {  	_ =	swait.ge [sflag:s23], $0x1  }
0xa3: {  	[sflag:s23] =	ssyncset.done $0x0  }
0xa4: {  	s25 =	simm.s32 $0x1B8E;
	s24 =	sld [smem:$0x3FFE];
	[sflag:s23] =	ssyncadd.s32 $0xFFFFFFFF  }
0xa5: {  	s26 =	simm.s32 $execute0_lowered;
	[smem:$0x3FD2] =	sst s25  }
0xa6: {  	s5 =	sshll.u32 s26, $0x1;
	_ =	strace $0x80000046;
	[dreg:$0x1] =	wrdreg $0xFFFFFFFF  }
0xa7: {  	s28 =	simm.s32 $_size_execute0_lowered;
	s3 =	sadd.s32 s3, s5;
	[dreg:$0x0] =	wrdreg $0x0  }
0xa8: {  	s5 =	sshll.u32 s28, $0x1;
	[dreg:$0x2] =	wrdreg s3  }
0xa9: {  	[dreg:$0x3] =	wrdreg s5  }
0xaa: {  	[dreg:$0x4] =	wrdreg $0xC0  }
0xab: {  	_ =	task [dreg:s7], $0x5FFFF  }
0xac: {  	[dreg:$0x1] =	wrdreg $0xFFFFFFFF  }
0xad: {  	[dreg:$0x0] =	wrdreg $0x60  }
0xae: {  	[dreg:$0x2] =	wrdreg s24  }
0xaf: {  	[dreg:$0x3] =	wrdreg s2  }
0xb0: {  	[dreg:$0x4] =	wrdreg $0x9  }
0xb1: {  	_ =	task.clear_ibuf [dreg:s7], $0x5FFFF;
	_ =	strace $0x90000046  }
0xb2: {  	s29 =	simm.s32 $0x9;
	_ =	strace $0x80000048  }
0xb3: {  	_ =	swait.ge [sflag:s29], $0x1  }
0xb4: {  	[sflag:s29] =	ssyncadd.s32 $0xFFFFFFFF  }
0xb5: {  	_ =	strace $0x90000048  }
0xb6: {  	_ =	sfence  }
0xb7: {  	s30 =	sld [smem:$0x0];
	_ =	sdelay $0x2  }
0xb8: {  	s31 =	sshll.u32 s1, $0xD;
	s1 =	sshrl.u32 s1, $0x2  }
0xb9: {  	s3 =	sand.u32 $0x4000, s31;
	s1 =	sadd.s32 s1, s30  }
0xba: {  	s0 =	sor.u32 s3, s0;
	s1 =	sshll.u32 s1, $0x11  }
0xbb: {  	s0 =	sor.u32 s1, s0  }
0xbc: {  	s0 =	sadd.s32 $0x8F2B, s0  }
0xbd: {  	[sflag:s0] =	ssyncadd.remote.s32 $0x1  }
0xbe: {  	_ =	sfence.sel $0xFFFF  }
0xbf: {  	[dreg:$0x0] =	wrdreg $0xFFFFFFFF;
	(pc) =	sbr.abs _section_cstart, $3  }
0xc0: {  	[dreg:$0x1] =	wrdreg $0xFFFFFFFF  }
0xc1: {  	_ =	task.clear_ibuf [dreg:s7], $0x2FFFF;
	_ =	strace $0x9FFFFFFF  }
0xc2: {  	(tm) =	ssettm $0x7FFFFFFF  }
0xc3: {  	_ =	shalt  }
tec
execute0_lowered:
.L_overlay_start_1:
0x0: {  	(tag) =	ssettag $0x1  }
0x1: {  	s1 =	rddreg [dreg:$0x0];
	s2 =	srdreg.scid  }
0x2: {  	s0 =	stileid.u32;
	s3 =	rddreg [dreg:$0x1]  }
0x3: {  	s20 =	simm.s32 $0x8880;
	s5 =	sand.u32 $0x1, s2;
	s2 =	simm.s32 $0x0  }
0x4: {  	s21 =	simm.s32 $0x9080;
	s22 =	simm.s32 $0x9880;
	[smem:$0x7FF] =	sst s2  }
0x5: {  	s23 =	simm.s32 $0xA080;
	_ =	strace $0x80000047;
	[dreg:$0x7] =	wrdreg s20  }
0x6: {  	s24 =	simm.s32 $0xA880;
	s25 =	simm.s32 $0xB080;
	[dreg:$0x8] =	wrdreg s21  }
0x7: {  	s26 =	simm.s32 $0xB880;
	s9 =	simm.s32 $0xC880;
	[dreg:$0x9] =	wrdreg s22  }
0x8: {  	s10 =	simm.s32 $0xD080;
	s11 =	simm.s32 $0xE080;
	[dreg:$0xa] =	wrdreg s23  }
0x9: {  	s12 =	simm.s32 $0xE880;
	s13 =	simm.s32 $0xF080;
	[dreg:$0xb] =	wrdreg s24  }
0xa: {  	s14 =	simm.s32 $0xF880;
	s16 =	sshll.u32 s0, $0x1;
	[dreg:$0xc] =	wrdreg s25  }
0xb: {  	s7 =	sshll.u32 s0, $0xF;
	s0 =	simm.s32 $0xC080;
	[dreg:$0xd] =	wrdreg s26  }
0xc: {  	s15 =	simm.s32 $0x10880;
	s28 =	simm.s32 $0x10080;
	[dreg:$0xe] =	wrdreg s0  }
0xd: {  	s30 =	simm.s32 $0x17880;
	s31 =	simm.s32 $0x1;
	[dreg:$0xf] =	wrdreg s9  }
0xe: {  	s4 =	sor.u32 s5, s16;
	s7 =	sand.u32 $0x60000, s7;
	[dreg:$0x10] =	wrdreg s10  }
0xf: {  	s5 =	ssub.s32 $0x2, s5;
	s16 =	simm.s32 $0x11080;
	[dreg:$0x12] =	wrdreg s11  }
0x10: {  	s6 =	sshll.u32 s4, $0xE;
	s4 =	sshll.u32 s4, $0x4;
	[dreg:$0x13] =	wrdreg s12  }
0x11: {  	s29 =	sshrl.u32 s5, $0x1;
	s9 =	simm.s32 $0xD880;
	[dreg:$0x14] =	wrdreg s13  }
0x12: {  	s10 =	simm.s32 $0x80;
	s11 =	simm.s32 $0x880;
	[dreg:$0x15] =	wrdreg s14  }
0x13: {  	s12 =	simm.s32 $0x1080;
	[dreg:$0x16] =	wrdreg s15;
	s13 =	simm.s32 $0x1880  }
0x14: {  	[dreg:$0x17] =	wrdreg s16;
	s14 =	simm.s32 $0x2080;
	s15 =	simm.s32 $0x2880  }
0x15: {  	s16 =	simm.s32 $0x3080;
	s20 =	simm.s32 $0x13080;
	s21 =	simm.s32 $0x13880  }
0x16: {  	s22 =	simm.s32 $0x14080;
	s23 =	simm.s32 $0x14880;
	[dreg:$0x11] =	wrdreg s9  }
0x17: {  	s24 =	simm.s32 $0x15080;
	s25 =	simm.s32 $0x15880;
	[dreg:$0x1b] =	wrdreg s20  }
0x18: {  	s26 =	simm.s32 $0x16080;
	s6 =	sand.u32 $0x1C000, s6;
	[dreg:$0x1c] =	wrdreg s21  }
0x19: {  	s4 =	sadd.s32 s4, s1;
	s8 =	ssub.s32 s5, s29;
	[dreg:$0x1d] =	wrdreg s22  }
0x1a: {  	s5 =	sadd.s32 $0x1500, s1;
	s9 =	simm.s32 $0x3;
	[dreg:$0x1e] =	wrdreg s23  }
0x1b: {  	s20 =	simm.s32 $0x5080;
	s21 =	simm.s32 $0x5880;
	[dreg:$0x1f] =	wrdreg s24  }
0x1c: {  	s22 =	simm.s32 $0x6080;
	[smem:$0x7FB] =	sst s25;
	s23 =	simm.s32 $0x6880  }
0x1d: {  	[smem:$0x7FC] =	sst s26;
	s29 =	simm.s32 $0x16880;
	s6 =	sor.u32 s7, s6  }
0x1e: {  	s4 =	sadd.s32 $0x1000, s4;
	[smem:$0x7FD] =	sst s29;
	s3 =	sadd.s32 s3, s6  }
0x1f: {  	s24 =	simm.s32 $0x7080;
	[dreg:$0x3] =	wrdreg s4;
	s17 =	sadd.s32 $0x1000, s3  }
0x20: {  	s25 =	simm.s32 $0x7880;
	s18 =	sadd.s32 $0x2000, s3;
	[dreg:$0x4] =	wrdreg s17  }
0x21: {  	s26 =	simm.s32 $0x8080;
	s19 =	sadd.s32 $0x3000, s3;
	[dreg:$0x5] =	wrdreg s18  }
0x22: {  	s7 =	sadd.s32 $0x1700, s1;
	[dreg:$0x6] =	wrdreg s19;
	s17 =	simm.s32 $0x11880  }
0x23: {  	s8 =	smax.u32 s8, $0x1;
	s18 =	simm.s32 $0x12080;
	[dreg:$0x18] =	wrdreg s17  }
0x24: {  	v2 =	vlaneseq.u32;
	s4 =	sadd.s32 $0x1400, s1;
	s19 =	simm.s32 $0x12880;
	[dreg:$0x19] =	wrdreg s18  }
0x25: {  	vm0 =	vmmov $0xffff;
	v1 =	vshrl.u32 v2, $0x3;
	s6 =	sadd.s32 $0x1600, s1;
	s1 =	simm.s32 $0x2;
	[dreg:$0x1a] =	wrdreg s19  }
0x26: {  	v0 =	vand.u32 $0x7, v2;
	v2 =	vor.u32 $0x8, v2;
	v1 =	vmul.u32 $0x8, v1;
	s17 =	simm.s32 $0x3880;
	s18 =	simm.s32 $0x4080;
	s19 =	simm.s32 $0x4880  }
.LBB2_1:
0x27: {  	s0 =	rddreg [dreg:$0x3]  }
0x28: {  	[tilespmem:s2], [sflag:$0x3] =	stream.linear.gather [hbm4b:s0+s2], $0x80, $0x38;
	[tilespmem:$0x18080] =	vst v63  }
0x29: {  	_ =	swait.ge [sflag:s9], $0x80  }
0x2a: {  	[sflag:s9] =	ssyncset.done $0x0  }
0x2b: {  	[sflag:s9] =	ssyncadd.s32 $0xFFFFFF80  }
0x2c: {  	v3 =	vld [tilespmem:$0x0];
	_ =	sdelay $0x4  }
0x2d: {  	v4 =	vshll.u32 v3, $0x3  }
0x2e: {  	v3 =	vand.u32 $0x7, v3;
	v4 =	vand.u32 $0xFFFFFFC0, v4  }
0x2f: {  	v3 =	vor.u32 v3, v4  }
0x30: {  	v4 =	vperm.xlane v3, v0;
	_ =	sdelay $0x1  }
0x31: {  	v4 =	vadd.s32 v1, v4;
	_ =	sdelay $0x4  }
0x32: {  	[tilespmem:s10], [sflag:$0x1] =	stream.indirect_vreg.gather [hbm4b:s4+s2], $0x80, v4, vm0, $0xb8;
	[tilespmem:$0x18080] =	vst v63  }
0x33: {  	v3 =	vperm.xlane v3, v2  }
0x34: {  	[tilespmem:s11], [sflag:$0x1] =	stream.indirect_vreg.gather [hbm4b:s5+s2], $0x80, v4, vm0, $0xb8;
	[tilespmem:$0x18080] =	vst v63  }
0x35: {  	v3 =	vadd.s32 v1, v3  }
0x36: {  	[tilespmem:s12], [sflag:$0x1] =	stream.indirect_vreg.gather [hbm4b:s6+s2], $0x80, v4, vm0, $0xb8;
	[tilespmem:$0x18080] =	vst v63  }
0x37: {  	_ = 	snop  }
0x38: {  	[tilespmem:s13], [sflag:$0x1] =	stream.indirect_vreg.gather [hbm4b:s7+s2], $0x80, v4, vm0, $0xb8;
	[tilespmem:$0x18080] =	vst v63  }
0x39: {  	_ = 	snop  }
0x3a: {  	[tilespmem:s14], [sflag:$0x1] =	stream.indirect_vreg.gather [hbm4b:s4+s2], $0x80, v3, vm0, $0xb8;
	[tilespmem:$0x18080] =	vst v63  }
0x3b: {  	_ = 	snop  }
0x3c: {  	[tilespmem:s15], [sflag:$0x1] =	stream.indirect_vreg.gather [hbm4b:s5+s2], $0x80, v3, vm0, $0xb8;
	[tilespmem:$0x18080] =	vst v63  }
0x3d: {  	_ = 	snop  }
0x3e: {  	[tilespmem:s16], [sflag:$0x1] =	stream.indirect_vreg.gather [hbm4b:s6+s2], $0x80, v3, vm0, $0xb8;
	[tilespmem:$0x18080] =	vst v63  }
0x3f: {  	_ = 	snop  }
0x40: {  	[tilespmem:s17], [sflag:$0x1] =	stream.indirect_vreg.gather [hbm4b:s7+s2], $0x80, v3, vm0, $0xb8;
	[tilespmem:$0x18080] =	vst v63  }
0x41: {  	v3 =	vld [tilespmem:$0x10];
	_ =	sdelay $0x4  }
0x42: {  	v57 =	vshll.u32 v3, $0x3  }
0x43: {  	v3 =	vand.u32 $0x7, v3;
	v4 =	vand.u32 $0xFFFFFFC0, v57  }
0x44: {  	v3 =	vor.u32 v3, v4  }
0x45: {  	v4 =	vperm.xlane v3, v0;
	_ =	sdelay $0x1  }
0x46: {  	v4 =	vadd.s32 v1, v4;
	_ =	sdelay $0x4  }
0x47: {  	[tilespmem:s18], [sflag:$0x1] =	stream.indirect_vreg.gather [hbm4b:s4+s2], $0x80, v4, vm0, $0xb8;
	[tilespmem:$0x18080] =	vst v63  }
0x48: {  	v3 =	vperm.xlane v3, v2  }
0x49: {  	[tilespmem:s19], [sflag:$0x1] =	stream.indirect_vreg.gather [hbm4b:s5+s2], $0x80, v4, vm0, $0xb8;
	[tilespmem:$0x18080] =	vst v63  }
0x4a: {  	v3 =	vadd.s32 v1, v3  }
0x4b: {  	[tilespmem:s20], [sflag:$0x1] =	stream.indirect_vreg.gather [hbm4b:s6+s2], $0x80, v4, vm0, $0xb8;
	[tilespmem:$0x18080] =	vst v63  }
0x4c: {  	_ = 	snop  }
0x4d: {  	[tilespmem:s21], [sflag:$0x1] =	stream.indirect_vreg.gather [hbm4b:s7+s2], $0x80, v4, vm0, $0xb8;
	[tilespmem:$0x18080] =	vst v63  }
0x4e: {  	_ = 	snop  }
0x4f: {  	[tilespmem:s22], [sflag:$0x1] =	stream.indirect_vreg.gather [hbm4b:s4+s2], $0x80, v3, vm0, $0xb8;
	[tilespmem:$0x18080] =	vst v63  }
0x50: {  	_ = 	snop  }
0x51: {  	[tilespmem:s23], [sflag:$0x1] =	stream.indirect_vreg.gather [hbm4b:s5+s2], $0x80, v3, vm0, $0xb8;
	[tilespmem:$0x18080] =	vst v63  }
0x52: {  	_ = 	snop  }
0x53: {  	[tilespmem:s24], [sflag:$0x1] =	stream.indirect_vreg.gather [hbm4b:s6+s2], $0x80, v3, vm0, $0xb8;
	[tilespmem:$0x18080] =	vst v63  }
0x54: {  	_ = 	snop  }
0x55: {  	[tilespmem:s25], [sflag:$0x1] =	stream.indirect_vreg.gather [hbm4b:s7+s2], $0x80, v3, vm0, $0xb8;
	[tilespmem:$0x18080] =	vst v63  }
0x56: {  	v3 =	vld [tilespmem:$0x20];
	_ =	sdelay $0x4  }
0x57: {  	v58 =	vshll.u32 v3, $0x3  }
0x58: {  	v3 =	vand.u32 $0x7, v3;
	v4 =	vand.u32 $0xFFFFFFC0, v58  }
0x59: {  	v3 =	vor.u32 v3, v4  }
0x5a: {  	v4 =	vperm.xlane v3, v0;
	_ =	sdelay $0x1  }
0x5b: {  	v4 =	vadd.s32 v1, v4;
	_ =	sdelay $0x4  }
0x5c: {  	[tilespmem:s26], [sflag:$0x1] =	stream.indirect_vreg.gather [hbm4b:s4+s2], $0x80, v4, vm0, $0xb8;
	[tilespmem:$0x18080] =	vst v63  }
0x5d: {  	s0 =	rddreg [dreg:$0x7];
	v3 =	vperm.xlane v3, v2  }
0x5e: {  	[tilespmem:s0], [sflag:$0x1] =	stream.indirect_vreg.gather [hbm4b:s5+s2], $0x80, v4, vm0, $0xb8;
	[tilespmem:$0x18080] =	vst v63  }
0x5f: {  	s29 =	rddreg [dreg:$0x8];
	v3 =	vadd.s32 v1, v3  }
0x60: {  	[tilespmem:s29], [sflag:$0x1] =	stream.indirect_vreg.gather [hbm4b:s6+s2], $0x80, v4, vm0, $0xb8;
	[tilespmem:$0x18080] =	vst v63  }
0x61: {  	s0 =	rddreg [dreg:$0x9]  }
0x62: {  	[tilespmem:s0], [sflag:$0x1] =	stream.indirect_vreg.gather [hbm4b:s7+s2], $0x80, v4, vm0, $0xb8;
	[tilespmem:$0x18080] =	vst v63  }
0x63: {  	s29 =	rddreg [dreg:$0xa]  }
0x64: {  	[tilespmem:s29], [sflag:$0x1] =	stream.indirect_vreg.gather [hbm4b:s4+s2], $0x80, v3, vm0, $0xb8;
	[tilespmem:$0x18080] =	vst v63  }
0x65: {  	s0 =	rddreg [dreg:$0xb]  }
0x66: {  	[tilespmem:s0], [sflag:$0x1] =	stream.indirect_vreg.gather [hbm4b:s5+s2], $0x80, v3, vm0, $0xb8;
	[tilespmem:$0x18080] =	vst v63  }
0x67: {  	s29 =	rddreg [dreg:$0xc]  }
0x68: {  	[tilespmem:s29], [sflag:$0x1] =	stream.indirect_vreg.gather [hbm4b:s6+s2], $0x80, v3, vm0, $0xb8;
	[tilespmem:$0x18080] =	vst v63  }
0x69: {  	s0 =	rddreg [dreg:$0xd]  }
0x6a: {  	[tilespmem:s0], [sflag:$0x1] =	stream.indirect_vreg.gather [hbm4b:s7+s2], $0x80, v3, vm0, $0xb8;
	[tilespmem:$0x18080] =	vst v63  }
0x6b: {  	v3 =	vld [tilespmem:$0x30];
	_ =	sdelay $0x4  }
0x6c: {  	v59 =	vshll.u32 v3, $0x3  }
0x6d: {  	v3 =	vand.u32 $0x7, v3;
	v4 =	vand.u32 $0xFFFFFFC0, v59  }
0x6e: {  	v3 =	vor.u32 v3, v4  }
0x6f: {  	v4 =	vperm.xlane v3, v0;
	_ =	sdelay $0x1  }
0x70: {  	v4 =	vadd.s32 v1, v4;
	_ =	sdelay $0x3  }
0x71: {  	s0 =	rddreg [dreg:$0xe]  }
0x72: {  	[tilespmem:s0], [sflag:$0x1] =	stream.indirect_vreg.gather [hbm4b:s4+s2], $0x80, v4, vm0, $0xb8;
	[tilespmem:$0x18080] =	vst v63  }
0x73: {  	s29 =	rddreg [dreg:$0xf];
	v3 =	vperm.xlane v3, v2  }
0x74: {  	[tilespmem:s29], [sflag:$0x1] =	stream.indirect_vreg.gather [hbm4b:s5+s2], $0x80, v4, vm0, $0xb8;
	[tilespmem:$0x18080] =	vst v63  }
0x75: {  	v3 =	vadd.s32 v1, v3;
	s0 =	rddreg [dreg:$0x10]  }
0x76: {  	[tilespmem:s0], [sflag:$0x1] =	stream.indirect_vreg.gather [hbm4b:s6+s2], $0x80, v4, vm0, $0xb8;
	[tilespmem:$0x18080] =	vst v63  }
0x77: {  	s29 =	rddreg [dreg:$0x11]  }
0x78: {  	[tilespmem:s29], [sflag:$0x1] =	stream.indirect_vreg.gather [hbm4b:s7+s2], $0x80, v4, vm0, $0xb8;
	[tilespmem:$0x18080] =	vst v63  }
0x79: {  	s0 =	rddreg [dreg:$0x12]  }
0x7a: {  	[tilespmem:s0], [sflag:$0x1] =	stream.indirect_vreg.gather [hbm4b:s4+s2], $0x80, v3, vm0, $0xb8;
	[tilespmem:$0x18080] =	vst v63  }
0x7b: {  	s29 =	rddreg [dreg:$0x13]  }
0x7c: {  	[tilespmem:s29], [sflag:$0x1] =	stream.indirect_vreg.gather [hbm4b:s5+s2], $0x80, v3, vm0, $0xb8;
	[tilespmem:$0x18080] =	vst v63  }
0x7d: {  	s0 =	rddreg [dreg:$0x14]  }
0x7e: {  	[tilespmem:s0], [sflag:$0x1] =	stream.indirect_vreg.gather [hbm4b:s6+s2], $0x80, v3, vm0, $0xb8;
	[tilespmem:$0x18080] =	vst v63  }
0x7f: {  	s29 =	rddreg [dreg:$0x15]  }
0x80: {  	[tilespmem:s29], [sflag:$0x1] =	stream.indirect_vreg.gather [hbm4b:s7+s2], $0x80, v3, vm0, $0xb8;
	[tilespmem:$0x18080] =	vst v63  }
0x81: {  	v3 =	vld [tilespmem:$0x40];
	_ =	sdelay $0x4  }
0x82: {  	v60 =	vshll.u32 v3, $0x3  }
0x83: {  	v3 =	vand.u32 $0x7, v3;
	v4 =	vand.u32 $0xFFFFFFC0, v60  }
0x84: {  	v3 =	vor.u32 v3, v4  }
0x85: {  	v4 =	vperm.xlane v3, v0;
	_ =	sdelay $0x1  }
0x86: {  	v4 =	vadd.s32 v1, v4;
	_ =	sdelay $0x4  }
0x87: {  	[tilespmem:s28], [sflag:$0x1] =	stream.indirect_vreg.gather [hbm4b:s4+s2], $0x80, v4, vm0, $0xb8;
	[tilespmem:$0x18080] =	vst v63  }
0x88: {  	s0 =	rddreg [dreg:$0x16];
	v3 =	vperm.xlane v3, v2  }
0x89: {  	[tilespmem:s0], [sflag:$0x1] =	stream.indirect_vreg.gather [hbm4b:s5+s2], $0x80, v4, vm0, $0xb8;
	[tilespmem:$0x18080] =	vst v63  }
0x8a: {  	s29 =	rddreg [dreg:$0x17];
	v3 =	vadd.s32 v1, v3  }
0x8b: {  	[tilespmem:s29], [sflag:$0x1] =	stream.indirect_vreg.gather [hbm4b:s6+s2], $0x80, v4, vm0, $0xb8;
	[tilespmem:$0x18080] =	vst v63  }
0x8c: {  	s0 =	rddreg [dreg:$0x18]  }
0x8d: {  	[tilespmem:s0], [sflag:$0x1] =	stream.indirect_vreg.gather [hbm4b:s7+s2], $0x80, v4, vm0, $0xb8;
	[tilespmem:$0x18080] =	vst v63  }
0x8e: {  	s29 =	rddreg [dreg:$0x19]  }
0x8f: {  	[tilespmem:s29], [sflag:$0x1] =	stream.indirect_vreg.gather [hbm4b:s4+s2], $0x80, v3, vm0, $0xb8;
	[tilespmem:$0x18080] =	vst v63  }
0x90: {  	s0 =	rddreg [dreg:$0x1a]  }
0x91: {  	[tilespmem:s0], [sflag:$0x1] =	stream.indirect_vreg.gather [hbm4b:s5+s2], $0x80, v3, vm0, $0xb8;
	[tilespmem:$0x18080] =	vst v63  }
0x92: {  	s29 =	rddreg [dreg:$0x1b]  }
0x93: {  	[tilespmem:s29], [sflag:$0x1] =	stream.indirect_vreg.gather [hbm4b:s6+s2], $0x80, v3, vm0, $0xb8;
	[tilespmem:$0x18080] =	vst v63  }
0x94: {  	s0 =	rddreg [dreg:$0x1c]  }
0x95: {  	[tilespmem:s0], [sflag:$0x1] =	stream.indirect_vreg.gather [hbm4b:s7+s2], $0x80, v3, vm0, $0xb8;
	[tilespmem:$0x18080] =	vst v63  }
0x96: {  	v3 =	vld [tilespmem:$0x50];
	_ =	sdelay $0x4  }
0x97: {  	v61 =	vshll.u32 v3, $0x3  }
0x98: {  	v3 =	vand.u32 $0x7, v3;
	v4 =	vand.u32 $0xFFFFFFC0, v61  }
0x99: {  	v3 =	vor.u32 v3, v4  }
0x9a: {  	v4 =	vperm.xlane v3, v0;
	_ =	sdelay $0x1  }
0x9b: {  	v4 =	vadd.s32 v1, v4;
	_ =	sdelay $0x2  }
0x9c: {  	s29 =	rddreg [dreg:$0x1e]  }
0x9d: {  	s0 =	rddreg [dreg:$0x1d]  }
0x9e: {  	[tilespmem:s0], [sflag:$0x1] =	stream.indirect_vreg.gather [hbm4b:s4+s2], $0x80, v4, vm0, $0xb8;
	[tilespmem:$0x18080] =	vst v63  }
0x9f: {  	v3 =	vperm.xlane v3, v2;
	s0 =	rddreg [dreg:$0x1f]  }
0xa0: {  	[tilespmem:s29], [sflag:$0x1] =	stream.indirect_vreg.gather [hbm4b:s5+s2], $0x80, v4, vm0, $0xb8;
	[tilespmem:$0x18080] =	vst v63  }
0xa1: {  	v3 =	vadd.s32 v1, v3;
	s29 =	sld [smem:$0x7FB]  }
0xa2: {  	[tilespmem:s0], [sflag:$0x1] =	stream.indirect_vreg.gather [hbm4b:s6+s2], $0x80, v4, vm0, $0xb8;
	[tilespmem:$0x18080] =	vst v63  }
0xa3: {  	s0 =	sld [smem:$0x7FC]  }
0xa4: {  	[tilespmem:s29], [sflag:$0x1] =	stream.indirect_vreg.gather [hbm4b:s7+s2], $0x80, v4, vm0, $0xb8;
	[tilespmem:$0x18080] =	vst v63  }
0xa5: {  	s29 =	sld [smem:$0x7FD]  }
0xa6: {  	[tilespmem:s0], [sflag:$0x1] =	stream.indirect_vreg.gather [hbm4b:s4+s2], $0x80, v3, vm0, $0xb8;
	[tilespmem:$0x18080] =	vst v63  }
0xa7: {  	_ = 	snop  }
0xa8: {  	[tilespmem:s29], [sflag:$0x1] =	stream.indirect_vreg.gather [hbm4b:s5+s2], $0x80, v3, vm0, $0xb8;
	[tilespmem:$0x18080] =	vst v63  }
0xa9: {  	s29 =	simm.s32 $0x17080  }
0xaa: {  	[tilespmem:s29], [sflag:$0x1] =	stream.indirect_vreg.gather [hbm4b:s6+s2], $0x80, v3, vm0, $0xb8;
	[tilespmem:$0x18080] =	vst v63  }
0xab: {  	_ = 	snop  }
0xac: {  	[tilespmem:s30], [sflag:$0x1] =	stream.indirect_vreg.gather [hbm4b:s7+s2], $0x80, v3, vm0, $0xb8;
	[tilespmem:$0x18080] =	vst v63  }
0xad: {  	_ =	swait.ge [sflag:s31], $0x8000  }
0xae: {  	[sflag:s31] =	ssyncset.done $0x0  }
0xaf: {  	[sflag:s31] =	ssyncadd.s32 $0xFFFF8000  }
0xb0: {  	[hbm4b:s3+s2] =	stream.linear.scatter [tilespmem:s10], [sflag:$0x2], $0x8000, $0x38;
	[tilespmem:$0x18080] =	vst v63  }
0xb1: {  	_ =	swait.ge [sflag:s31], $0x8000  }
0xb2: {  	[sflag:s31] =	ssyncset.done $0x0  }
0xb3: {  	s29 =	rddreg [dreg:$0x4];
	[sflag:s31] =	ssyncadd.s32 $0xFFFF8000  }
0xb4: {  	[hbm4b:s29+s2] =	stream.linear.scatter [tilespmem:s26], [sflag:$0x2], $0x8000, $0x38;
	[tilespmem:$0x18080] =	vst v63  }
0xb5: {  	_ =	swait.ge [sflag:s31], $0x8000  }
0xb6: {  	[sflag:s31] =	ssyncset.done $0x0  }
0xb7: {  	s29 =	rddreg [dreg:$0x5];
	[sflag:s31] =	ssyncadd.s32 $0xFFFF8000  }
0xb8: {  	[hbm4b:s29+s2] =	stream.linear.scatter [tilespmem:s28], [sflag:$0x2], $0x8000, $0x38;
	[tilespmem:$0x18080] =	vst v63  }
0xb9: {  	_ =	swait.ge [sflag:s1], $0x8000  }
0xba: {  	[sflag:s1] =	ssyncset.done $0x0  }
0xbb: {  	[sflag:s1] =	ssyncadd.s32 $0xFFFF8000  }
0xbc: {  	v3 =	vld [tilespmem:$0x60];
	_ =	sdelay $0x4  }
0xbd: {  	v62 =	vshll.u32 v3, $0x3  }
0xbe: {  	v3 =	vand.u32 $0x7, v3;
	v4 =	vand.u32 $0xFFFFFFC0, v62  }
0xbf: {  	v3 =	vor.u32 v3, v4  }
0xc0: {  	v4 =	vperm.xlane v3, v0;
	_ =	sdelay $0x1  }
0xc1: {  	v4 =	vadd.s32 v1, v4;
	_ =	sdelay $0x4  }
0xc2: {  	[tilespmem:s10], [sflag:$0x1] =	stream.indirect_vreg.gather [hbm4b:s4+s2], $0x80, v4, vm0, $0xb8;
	[tilespmem:$0x18080] =	vst v63  }
0xc3: {  	v3 =	vperm.xlane v3, v2  }
0xc4: {  	[tilespmem:s11], [sflag:$0x1] =	stream.indirect_vreg.gather [hbm4b:s5+s2], $0x80, v4, vm0, $0xb8;
	[tilespmem:$0x18080] =	vst v63  }
0xc5: {  	v3 =	vadd.s32 v1, v3  }
0xc6: {  	[tilespmem:s12], [sflag:$0x1] =	stream.indirect_vreg.gather [hbm4b:s6+s2], $0x80, v4, vm0, $0xb8;
	[tilespmem:$0x18080] =	vst v63  }
0xc7: {  	_ = 	snop  }
0xc8: {  	[tilespmem:s13], [sflag:$0x1] =	stream.indirect_vreg.gather [hbm4b:s7+s2], $0x80, v4, vm0, $0xb8;
	[tilespmem:$0x18080] =	vst v63  }
0xc9: {  	_ = 	snop  }
0xca: {  	[tilespmem:s14], [sflag:$0x1] =	stream.indirect_vreg.gather [hbm4b:s4+s2], $0x80, v3, vm0, $0xb8;
	[tilespmem:$0x18080] =	vst v63  }
0xcb: {  	_ = 	snop  }
0xcc: {  	[tilespmem:s15], [sflag:$0x1] =	stream.indirect_vreg.gather [hbm4b:s5+s2], $0x80, v3, vm0, $0xb8;
	[tilespmem:$0x18080] =	vst v63  }
0xcd: {  	_ = 	snop  }
0xce: {  	[tilespmem:s16], [sflag:$0x1] =	stream.indirect_vreg.gather [hbm4b:s6+s2], $0x80, v3, vm0, $0xb8;
	[tilespmem:$0x18080] =	vst v63  }
0xcf: {  	_ = 	snop  }
0xd0: {  	[tilespmem:s17], [sflag:$0x1] =	stream.indirect_vreg.gather [hbm4b:s7+s2], $0x80, v3, vm0, $0xb8;
	[tilespmem:$0x18080] =	vst v63  }
0xd1: {  	v3 =	vld [tilespmem:$0x70];
	_ =	sdelay $0x4  }
0xd2: {  	v63 =	vshll.u32 v3, $0x3  }
0xd3: {  	v3 =	vand.u32 $0x7, v3;
	v4 =	vand.u32 $0xFFFFFFC0, v63  }
0xd4: {  	v3 =	vor.u32 v3, v4  }
0xd5: {  	v4 =	vperm.xlane v3, v0;
	_ =	sdelay $0x1  }
0xd6: {  	v4 =	vadd.s32 v1, v4;
	_ =	sdelay $0x4  }
0xd7: {  	[tilespmem:s18], [sflag:$0x1] =	stream.indirect_vreg.gather [hbm4b:s4+s2], $0x80, v4, vm0, $0xb8;
	[tilespmem:$0x18080] =	vst v63  }
0xd8: {  	v3 =	vperm.xlane v3, v2  }
0xd9: {  	[tilespmem:s19], [sflag:$0x1] =	stream.indirect_vreg.gather [hbm4b:s5+s2], $0x80, v4, vm0, $0xb8;
	[tilespmem:$0x18080] =	vst v63  }
0xda: {  	v3 =	vadd.s32 v1, v3  }
0xdb: {  	[tilespmem:s20], [sflag:$0x1] =	stream.indirect_vreg.gather [hbm4b:s6+s2], $0x80, v4, vm0, $0xb8;
	[tilespmem:$0x18080] =	vst v63  }
0xdc: {  	_ = 	snop  }
0xdd: {  	[tilespmem:s21], [sflag:$0x1] =	stream.indirect_vreg.gather [hbm4b:s7+s2], $0x80, v4, vm0, $0xb8;
	[tilespmem:$0x18080] =	vst v63  }
0xde: {  	_ = 	snop  }
0xdf: {  	[tilespmem:s22], [sflag:$0x1] =	stream.indirect_vreg.gather [hbm4b:s4+s2], $0x80, v3, vm0, $0xb8;
	[tilespmem:$0x18080] =	vst v63  }
0xe0: {  	_ = 	snop  }
0xe1: {  	[tilespmem:s23], [sflag:$0x1] =	stream.indirect_vreg.gather [hbm4b:s5+s2], $0x80, v3, vm0, $0xb8;
	[tilespmem:$0x18080] =	vst v63  }
0xe2: {  	_ = 	snop  }
0xe3: {  	[tilespmem:s24], [sflag:$0x1] =	stream.indirect_vreg.gather [hbm4b:s6+s2], $0x80, v3, vm0, $0xb8;
	[tilespmem:$0x18080] =	vst v63  }
0xe4: {  	_ = 	snop  }
0xe5: {  	[tilespmem:s25], [sflag:$0x1] =	stream.indirect_vreg.gather [hbm4b:s7+s2], $0x80, v3, vm0, $0xb8;
	[tilespmem:$0x18080] =	vst v63  }
0xe6: {  	_ =	swait.ge [sflag:s31], $0x8000  }
0xe7: {  	[sflag:s31] =	ssyncset.done $0x0  }
0xe8: {  	s29 =	rddreg [dreg:$0x6];
	[sflag:s31] =	ssyncadd.s32 $0xFFFF8000  }
0xe9: {  	[hbm4b:s29+s2] =	stream.linear.scatter [tilespmem:s10], [sflag:$0x2], $0x8000, $0x38;
	[tilespmem:$0x18080] =	vst v63  }
0xea: {  	_ =	swait.ge [sflag:s1], $0x8000  }
0xeb: {  	[sflag:s1] =	ssyncset.done $0x0  }
0xec: {  	[sflag:s1] =	ssyncadd.s32 $0xFFFF8000  }
0xed: {  	p0 =	sne.s32 s8, $0x1;
	_ =	swait.ge [sflag:s1], $0x8000  }
.Ltmp0:
0xee: {  	[sflag:s1] =	ssyncset.done $0x0;
	(pc) =	sbr.rel @p0 .LBB2_1-.Ltmp0, $4  }
0xef: {  	[sflag:s1] =	ssyncadd.s32 $0xFFFF8000  }
0xf0: {  	_ =	swait.ge [sflag:s1], $0x8000  }
0xf1: {  	[sflag:s1] =	ssyncset.done $0x0  }
0xf2: {  	s8 =	sadd.s32 $0xFFFFFFFF, s8;
	[sflag:s1] =	ssyncadd.s32 $0xFFFF8000  }
0xf3: {  	_ =	sfence.sel $0x180000  }
0xf4: {  	[bflag:$0x0] =	sbarrier.arrive $0xFFFF  }
0xf5: {  	_ =	strace $0x90000047  }
0xf6: {  	s0 =	stileid.u32;
	[bflag:$0x2] =	sbarrier.arrive $0xFFFF  }
0xf7: {  	p0 =	sne.s32 s0, $0x0;
	s0 =	rddreg [dreg:$0x2]  }
0xf8: {  	s0 =	sadd.s32 @!p0 $0x100000, s0  }
0xf9: {  	[sflag:s0] =	ssyncadd.tile.s32 @!p0 $0x1;
	_ =	shalt  }
.Lfunc_end2:
_tile_overlayer_lowered:
.L_overlay_start_2:
0xfa: {  	(tag) =	ssettag $0x2  }
0xfb: {  	s0 =	rddreg [dreg:$0x0];
	s2 =	stileid.u32  }
0xfc: {  	s1 =	rddreg [dreg:$0x1];
	p0 =	sne.s32 s2, $0x0  }
0xfd: {  	s3 =	rddreg [dreg:$0x2];
	[bflag:$0x3] =	sbarrier.arrive $0xFFFF;
	s2 =	simm.s32 @!p0 $0x1C03  }
0xfe: {  	[timem:s3], [sflag:s2] =	dma.local @!p0 [hbm:s0], s1  }
0xff: {  	s0 =	simm.s32 @!p0 $0x3  }
0x100: {  	_ =	swait.ge @!p0 [sflag:s0], s1  }
0x101: {  	s1 =	ssub.s32 @!p0 $0x0, s1;
	[sflag:s0] =	ssyncset.done @!p0 $0x0  }
0x102: {  	[sflag:s0] =	ssyncadd.s32 @!p0 s1  }
0x103: {  	[bflag:$0x3] =	sbarrier.arrive $0xFFFF  }
0x104: {  	_ =	shalt  }

// kernel: kernel.9.cloned.1.call-start
scs
__scs_entry_jumppad:
0x0: {  	(pc) =	sbr.rel $0x88, $3  }
0x1: {  	(tag) =	ssettag $0x0;
	lr =	simm.s32 $0x1  }
0x2: {  	[smem:$0x3F9F] =	sst lr;
	_ =	strace $0xD0000000  }
0x3: {  	_ = 	snop  }
0x4: {  	_ = 	snop  }
0x5: {  	_ = 	snop  }
0x6: {  	_ = 	snop  }
0x7: {  	_ = 	snop  }
__scs_overlays_trampoline_lowered:
0x8: {  	[smem:$0x3FAE] =	sst s0  }
0x9: {  	[smem:$0x3FAF] =	sst s1  }
0xa: {  	[smem:$0x3FB0] =	sst s2  }
0xb: {  	[smem:$0x3FB1] =	sst s3  }
0xc: {  	[smem:$0x3FB2] =	sst s4  }
0xd: {  	[smem:$0x3FB3] =	sst s5  }
0xe: {  	[smem:$0x3FB4] =	sst s6  }
0xf: {  	[smem:$0x3FB5] =	sst s7  }
0x10: {  	[smem:$0x3FB6] =	sst s8  }
0x11: {  	[smem:$0x3FB7] =	sst s9;
	s0 =	simm.s32 @!p0 $0x0  }
0x12: {  	s1 =	sld [smem:$0x3F9D];
	s0 =	simm.s32 @p0 $0x1  }
0x13: {  	[smem:$0x3FB8] =	sst s0;
	s0 =	simm.s32 @!p1 $0x0  }
0x14: {  	s2 =	sld [smem:$0x3F9C];
	s0 =	simm.s32 @p1 $0x1  }
0x15: {  	[smem:$0x3FB9] =	sst s0;
	s0 =	simm.s32 @!p2 $0x0  }
0x16: {  	s3 =	sld [smem:$0x3FDB];
	s0 =	simm.s32 @p2 $0x1  }
0x17: {  	s4 =	simm.s32 $0x1BF5;
	[smem:$0x3FBB] =	sst s0  }
0x18: {  	s0 =	sld [smem:$0x3F9E];
	_ =	swait.ge [sflag:s4], $0x0  }
0x19: {  	s7 =	sld [smem:$0x3F9F]  }
0x1a: {  	s8 =	sadd.s32 $0xFFFFE003, lr  }
0x1b: {  	s9 =	sadd.s32 $0xFFFFFEF7, lr;
	s5 =	simm.s32 $0xFFFFFFFF;
	p2 =	slt.u32 s8, $0xFFFFF086  }
0x1c: {  	p1 =	slt.u32 s9, $0xF7A;
	s5 =	simm.s32 @!p2 $0x0  }
0x1d: {  	s5 =	simm.s32 @p1 $0x1;
	p0 =	seq.s32 s7, s2  }
0x1e: {  	s7 =	smul.u32 @!p0 $0xF7A, s2;
	p2 =	seq.s32 @!p0 s5, $0x0  }
0x1f: {  	s9 =	smul.u32 $0xF7A, s1;
	s8 =	simm.s32 @!p0 $0x1BF5;
	p2 =	por !p2, p0  }
0x20: {  	[sflag:s8] =	ssyncset.s32 @!p0 $0xFFFFF086;
	s6 =	sadd.s32 @!p0 s3, s7;
	s7 =	simm.s32 @!p0 $0x108  }
0x21: {  	s3 =	sadd.s32 s3, s9;
	s6 =	sadd.s32 @!p0 $0x88, s6;
	s7 =	simm.s32 @p2 $0x1082  }
0x22: {  	[simem:s7], [sflag:s8] =	dma.local @!p0 [hbm:s6], $0xF7A  }
0x23: {  	s9 =	sor.u32 $0xD0000000, s2;
	s6 =	simm.s32 $0x108;
	_ =	swait.ge @!p0 [sflag:s8], $0x0  }
0x24: {  	s3 =	sadd.s32 $0x88, s3;
	s6 =	simm.s32 @!p1 $0x1082;
	[sflag:s4] =	ssyncset.s32 $0xFFFFF086  }
0x25: {  	[simem:s6], [sflag:s4] =	dma.local [hbm:s3], $0xF7A  }
0x26: {  	[smem:$0x3F9F] =	sst s1;
	(tag) =	ssettag s2;
	_ =	strace s9  }
0x27: {  	s1 =	sld [smem:$0x3FAF]  }
0x28: {  	s2 =	sld [smem:$0x3FB0]  }
0x29: {  	s4 =	sld [smem:$0x3FB2]  }
0x2a: {  	p0 =	seq.s32 s5, $0x0;
	s5 =	sld [smem:$0x3FB3]  }
0x2b: {  	s6 =	sld [smem:$0x3FB4]  }
0x2c: {  	s7 =	sld [smem:$0x3FB5]  }
0x2d: {  	s3 =	simm.s32 $0x108;
	s8 =	sld [smem:$0x3FB6]  }
0x2e: {  	s3 =	simm.s32 @!p0 $0x1082;
	s9 =	sld [smem:$0x3FB7]  }
0x2f: {  	lr =	sadd.s32 s0, s3;
	s0 =	sld [smem:$0x3FAE]  }
0x30: {  	s3 =	sld [smem:$0x3FB1]  }
0x31: {  	[smem:$0x3FBA] =	sst s10  }
0x32: {  	s10 =	sld [smem:$0x3FB8];
	_ =	sdelay $0x3  }
0x33: {  	p0 =	seq.s32 s10, $0x1;
	s10 =	sld [smem:$0x3FBA];
	_ =	sdelay $0x3  }
0x34: {  	[smem:$0x3FBA] =	sst s10  }
0x35: {  	s10 =	sld [smem:$0x3FB9];
	_ =	sdelay $0x3  }
0x36: {  	p1 =	seq.s32 s10, $0x1;
	s10 =	sld [smem:$0x3FBA];
	_ =	sdelay $0x3  }
0x37: {  	[smem:$0x3FBA] =	sst s10  }
0x38: {  	s10 =	sld [smem:$0x3FBB]  }
0x39: {  	_ = 	snop;
	(pc) =	sbr.ind lr, $3  }
0x3a: {  	_ = 	snop  }
0x3b: {  	_ = 	snop  }
0x3c: {  	p2 =	seq.s32 s10, $0x1;
	s10 =	sld [smem:$0x3FBA]  }
0x3d: {  	_ =	shalt  }
0x3e: {  	_ =	shalt  }
0x3f: {  	_ =	shalt  }
0x40: {  	_ =	shalt  }
0x41: {  	_ =	shalt  }
0x42: {  	_ =	shalt  }
0x43: {  	_ =	shalt  }
0x44: {  	_ =	shalt  }
0x45: {  	_ =	shalt  }
0x46: {  	_ =	shalt  }
0x47: {  	_ =	shalt  }
0x48: {  	_ =	shalt  }
0x49: {  	_ =	shalt  }
0x4a: {  	_ =	shalt  }
0x4b: {  	_ =	shalt  }
0x4c: {  	_ =	shalt  }
0x4d: {  	_ =	shalt  }
0x4e: {  	_ =	shalt  }
0x4f: {  	_ =	shalt  }
0x50: {  	_ =	shalt  }
0x51: {  	_ =	shalt  }
0x52: {  	_ =	shalt  }
0x53: {  	_ =	shalt  }
0x54: {  	_ =	shalt  }
0x55: {  	_ =	shalt  }
0x56: {  	_ =	shalt  }
0x57: {  	_ =	shalt  }
0x58: {  	_ =	shalt  }
0x59: {  	_ =	shalt  }
0x5a: {  	_ =	shalt  }
0x5b: {  	_ =	shalt  }
0x5c: {  	_ =	shalt  }
0x5d: {  	_ =	shalt  }
0x5e: {  	_ =	shalt  }
0x5f: {  	_ =	shalt  }
0x60: {  	_ =	shalt  }
0x61: {  	_ =	shalt  }
0x62: {  	_ =	shalt  }
0x63: {  	_ =	shalt  }
0x64: {  	_ =	shalt  }
0x65: {  	_ =	shalt  }
0x66: {  	_ =	shalt  }
0x67: {  	_ =	shalt  }
0x68: {  	_ =	shalt  }
0x69: {  	_ =	shalt  }
0x6a: {  	_ =	shalt  }
0x6b: {  	_ =	shalt  }
0x6c: {  	_ =	shalt  }
0x6d: {  	_ =	shalt  }
0x6e: {  	_ =	shalt  }
0x6f: {  	_ =	shalt  }
0x70: {  	_ =	shalt  }
0x71: {  	_ =	shalt  }
0x72: {  	_ =	shalt  }
0x73: {  	_ =	shalt  }
0x74: {  	_ =	shalt  }
0x75: {  	_ =	shalt  }
0x76: {  	_ =	shalt  }
0x77: {  	_ =	shalt  }
0x78: {  	_ =	shalt  }
0x79: {  	_ =	shalt  }
0x7a: {  	_ =	shalt  }
0x7b: {  	_ =	shalt  }
0x7c: {  	_ =	shalt  }
0x7d: {  	_ =	shalt  }
0x7e: {  	_ =	shalt  }
0x7f: {  	_ =	shalt  }
0x80: {  	_ =	shalt  }
0x81: {  	_ =	shalt  }
0x82: {  	_ =	shalt  }
0x83: {  	_ =	shalt  }
0x84: {  	_ =	shalt  }
0x85: {  	_ =	shalt  }
0x86: {  	_ =	shalt  }
0x87: {  	_ =	shalt  }
.Lfunc_end0:
.L_simem_size_0:
called_computation.1_lowered:
.L_overlay_start_0:
0x88: {  	s2 =	sld [smem:$0x3FD9]  }
0x89: {  	s3 =	sld [smem:$0x3FFE];
	_ =	sdelay $0x1  }
0x8a: {  	s1 =	srdreg.scid  }
0x8b: {  	s0 =	sand.u32 $0x1, s1  }
0x8c: {  	s17 =	sshll.u32 s0, $0xA;
	s2 =	sadd.s32 s3, s2  }
0x8d: {  	s2 =	sadd.s32 s2, s17  }
0x8e: {  	[smem:$0x3FC6] =	sst s2  }
0x8f: {  	_ = 	snop  }
0x90: {  	(tm) =	ssettm $0x1  }
0x91: {  	s18 =	sld [smem:$0x3FFB];
	_ =	sdelay $0x3  }
0x92: {  	_ =	strace s18  }
0x93: {  	s2 =	sld [smem:$0x3FFC];
	_ =	sdelay $0x3  }
0x94: {  	_ =	strace s2  }
0x95: {  	s2 =	sld [smem:$0x3FFD];
	_ =	sdelay $0x3  }
0x96: {  	_ =	strace s2  }
0x97: {  	_ =	strace $0x8FFFFFFF  }
0x98: {  	s19 =	sld [smem:$0x3FDB];
	_ =	sdelay $0x1  }
0x99: {  	s20 =	simm.s32 $_scs_section_size  }
0x9a: {  	s4 =	simm.s32 $_size__tile_overlayer_lowered;
	s5 =	simm.s32 $_tile_overlayer_lowered  }
0x9b: {  	s6 =	simm.s32 $0x1BFF;
	s21 =	sshll.u32 s5, $0x1;
	s3 =	sadd.s32 s20, s19  }
0x9c: {  	s22 =	simm.s32 $0x0;
	s4 =	sshll.u32 s4, $0x1;
	s5 =	sadd.s32 s21, s3  }
0x9d: {  	[timem:s22], [sflag:s6] =	dma.local [hbm:s5], s4  }
0x9e: {  	_ =	swait.ge [sflag:s6], s4  }
0x9f: {  	s4 =	ssub.s32 $0x0, s4;
	[sflag:s6] =	ssyncset.done $0x0  }
0xa0: {  	[sflag:s6] =	ssyncadd.s32 s4;
	_ =	sdelay $0x1  }
0xa1: {  	s23 =	simm.s32 $0x1B8B  }
0xa2: {  	_ =	swait.ge [sflag:s23], $0x1  }
0xa3: {  	[sflag:s23] =	ssyncset.done $0x0  }
0xa4: {  	[sflag:s23] =	ssyncadd.s32 $0xFFFFFFFF  }
0xa5: {  	s4 =	sld [smem:$0x0]  }
0xa6: {  	s5 =	sand.u32 $0xFFFFFFFE, s1  }
0xa7: {  	p0 =	sne.s32 s1, s5  }
0xa8: {  	s5 =	sshll.u32 @p0 s5, $0xE  }
0xa9: {  	s5 =	sadd.s32 @p0 $0x11B8D, s5;
	s6 =	sshll.u32 @p0 s4, $0x11  }
0xaa: {  	s5 =	sor.u32 @p0 s6, s5  }
0xab: {  	[sflag:s5] =	ssyncadd.remote.s32 @p0 $0x1;
	_ =	sdelay $0x1  }
0xac: {  	s5 =	simm.s32 @p0 $0x1B8D  }
0xad: {  	_ =	swait.eq @p0 [sflag:s5], $0x1  }
0xae: {  	[sflag:s5] =	ssyncadd.s32 @p0 $0xFFFFFFFF  }
0xaf: {  	s6 =	sshll.u32 @!p0 s1, $0xE  }
0xb0: {  	s6 =	sor.u32 @!p0 $0x4000, s6;
	s5 =	simm.s32 @!p0 $0x1B8D  }
0xb1: {  	s4 =	sshll.u32 @!p0 s4, $0x11;
	s6 =	sadd.s32 @!p0 $0x11B8D, s6;
	_ =	swait.eq @!p0 [sflag:s5], $0x1  }
0xb2: {  	s4 =	sor.u32 @!p0 s4, s6;
	[sflag:s5] =	ssyncadd.s32 @!p0 $0xFFFFFFFF  }
0xb3: {  	s25 =	simm.s32 $0x1B8E;
	s24 =	sld [smem:$0x3FFE];
	[sflag:s4] =	ssyncadd.remote.s32 @!p0 $0x1  }
0xb4: {  	s26 =	simm.s32 $execute0_lowered;
	[smem:$0x3FD2] =	sst s25  }
0xb5: {  	s5 =	sshll.u32 s26, $0x1;
	_ =	strace $0x80000049;
	[dreg:$0x1] =	wrdreg $0xFFFFFFFF  }
0xb6: {  	s28 =	simm.s32 $_size_execute0_lowered;
	s3 =	sadd.s32 s3, s5;
	[dreg:$0x0] =	wrdreg $0x0  }
0xb7: {  	s5 =	sshll.u32 s28, $0x1;
	[dreg:$0x2] =	wrdreg s3  }
0xb8: {  	[dreg:$0x3] =	wrdreg s5  }
0xb9: {  	[dreg:$0x4] =	wrdreg $0xC0  }
0xba: {  	_ =	task [dreg:s22], $0x5FFFF  }
0xbb: {  	[dreg:$0x1] =	wrdreg $0xFFFFFFFF  }
0xbc: {  	[dreg:$0x0] =	wrdreg $0x60  }
0xbd: {  	[dreg:$0x2] =	wrdreg s24  }
0xbe: {  	[dreg:$0x3] =	wrdreg $0xA  }
0xbf: {  	_ =	task.clear_ibuf [dreg:s22], $0x4FFFF;
	_ =	strace $0x90000049  }
0xc0: {  	s29 =	simm.s32 $0xA;
	_ =	strace $0x8000004B  }
0xc1: {  	_ =	swait.ge [sflag:s29], $0x1  }
0xc2: {  	[sflag:s29] =	ssyncadd.s32 $0xFFFFFFFF  }
0xc3: {  	_ =	strace $0x9000004B  }
0xc4: {  	_ =	sfence  }
0xc5: {  	s30 =	sld [smem:$0x0];
	_ =	sdelay $0x2  }
0xc6: {  	s31 =	sshll.u32 s1, $0xD;
	s1 =	sshrl.u32 s1, $0x2  }
0xc7: {  	s4 =	sand.u32 $0x4000, s31;
	s1 =	sadd.s32 s1, s30  }
0xc8: {  	s0 =	sor.u32 s4, s0;
	s1 =	sshll.u32 s1, $0x11  }
0xc9: {  	s0 =	sor.u32 s1, s0  }
0xca: {  	s0 =	sadd.s32 $0x8F2B, s0  }
0xcb: {  	[sflag:s0] =	ssyncadd.remote.s32 $0x1  }
0xcc: {  	_ =	sfence.sel $0xFFFF  }
0xcd: {  	[dreg:$0x0] =	wrdreg $0xFFFFFFFF;
	(pc) =	sbr.abs _section_cstart, $3  }
0xce: {  	[dreg:$0x1] =	wrdreg $0xFFFFFFFF  }
0xcf: {  	_ =	task.clear_ibuf [dreg:s22], $0x2FFFF;
	_ =	strace $0x9FFFFFFF  }
0xd0: {  	(tm) =	ssettm $0x7FFFFFFF  }
0xd1: {  	_ =	shalt  }
tec
execute0_lowered:
.L_overlay_start_1:
0x0: {  	(tag) =	ssettag $0x1  }
0x1: {  	s1 =	srdreg.scid  }
0x2: {  	s0 =	stileid.u32;
	s6 =	rddreg [dreg:$0x0];
	s25 =	simm.s32 $0x8880  }
0x3: {  	s26 =	simm.s32 $0x9080;
	s1 =	sand.u32 $0x1, s1;
	s2 =	sshll.u32 s0, $0x1  }
0x4: {  	s28 =	simm.s32 $0x9880;
	s3 =	sor.u32 s1, s2;
	s2 =	simm.s32 $0x0  }
0x5: {  	s8 =	simm.s32 $0xB080;
	s9 =	simm.s32 $0xB880;
	[smem:$0x7FF] =	sst s2  }
0x6: {  	s10 =	simm.s32 $0xC880;
	_ =	strace $0x8000004A;
	[dreg:$0x7] =	wrdreg s25  }
0x7: {  	s11 =	simm.s32 $0xD880;
	s12 =	simm.s32 $0xE080;
	[dreg:$0x8] =	wrdreg s26  }
0x8: {  	s5 =	sshll.u32 s0, $0xF;
	s0 =	simm.s32 $0xA080;
	[dreg:$0x9] =	wrdreg s28  }
0x9: {  	s13 =	simm.s32 $0xE880;
	s14 =	simm.s32 $0xF080;
	[dreg:$0xa] =	wrdreg s0  }
0xa: {  	s15 =	simm.s32 $0xF880;
	s16 =	simm.s32 $0x10880;
	[dreg:$0xc] =	wrdreg s8  }
0xb: {  	s17 =	simm.s32 $0x11080;
	s18 =	simm.s32 $0x11880;
	[dreg:$0xd] =	wrdreg s9  }
0xc: {  	s19 =	simm.s32 $0x12080;
	s20 =	simm.s32 $0x12880;
	[dreg:$0xf] =	wrdreg s10  }
0xd: {  	s29 =	simm.s32 $0x17080;
	s30 =	simm.s32 $0x17880;
	[dreg:$0x11] =	wrdreg s11  }
0xe: {  	s31 =	simm.s32 $0x1;
	s5 =	sand.u32 $0x60000, s5;
	[dreg:$0x12] =	wrdreg s12  }
0xf: {  	s1 =	ssub.s32 $0x2, s1;
	s4 =	sshll.u32 s3, $0xE;
	[dreg:$0x13] =	wrdreg s13  }
0x10: {  	s3 =	sshll.u32 s3, $0x4;
	s7 =	sshrl.u32 s1, $0x1;
	[dreg:$0x14] =	wrdreg s14  }
0x11: {  	s4 =	sand.u32 $0x1C000, s4;
	s3 =	sadd.s32 s3, s6;
	[dreg:$0x15] =	wrdreg s15  }
0x12: {  	s1 =	ssub.s32 s1, s7;
	s7 =	simm.s32 $0xC080;
	[dreg:$0x16] =	wrdreg s16  }
0x13: {  	s8 =	simm.s32 $0xD080;
	s9 =	simm.s32 $0x80;
	[dreg:$0x17] =	wrdreg s17  }
0x14: {  	s10 =	simm.s32 $0x880;
	s11 =	simm.s32 $0x1080;
	[dreg:$0x18] =	wrdreg s18  }
0x15: {  	s12 =	simm.s32 $0x1880;
	s13 =	simm.s32 $0x2080;
	[dreg:$0x19] =	wrdreg s19  }
0x16: {  	s14 =	simm.s32 $0x2880;
	s15 =	simm.s32 $0x3080;
	[dreg:$0x1a] =	wrdreg s20  }
0x17: {  	s16 =	simm.s32 $0x3880;
	s17 =	simm.s32 $0x4080;
	[dreg:$0xe] =	wrdreg s7  }
0x18: {  	s18 =	simm.s32 $0x4880;
	s25 =	simm.s32 $0x15080;
	[dreg:$0x10] =	wrdreg s8  }
0x19: {  	s19 =	simm.s32 $0x5080;
	s26 =	simm.s32 $0x15880;
	[dreg:$0x1f] =	wrdreg s25  }
0x1a: {  	s20 =	simm.s32 $0x5880;
	s28 =	simm.s32 $0x16080;
	[smem:$0x7FC] =	sst s26  }
0x1b: {  	s4 =	sor.u32 s5, s4;
	s3 =	sadd.s32 $0x1200, s3;
	[smem:$0x7FD] =	sst s28  }
0x1c: {  	s5 =	simm.s32 $0xA880;
	s4 =	sadd.s32 s4, s6;
	[dreg:$0x2] =	wrdreg s3  }
0x1d: {  	s7 =	smax.u32 s1, $0x1;
	[dreg:$0xb] =	wrdreg s5;
	s21 =	sadd.s32 $0x20800, s4  }
0x1e: {  	s8 =	simm.s32 $0x3;
	s22 =	sadd.s32 $0x21800, s4;
	[dreg:$0x3] =	wrdreg s21  }
0x1f: {  	s25 =	simm.s32 $0x8080;
	s23 =	sadd.s32 $0x22800, s4;
	[dreg:$0x4] =	wrdreg s22  }
0x20: {  	s26 =	simm.s32 $0x10080;
	s24 =	sadd.s32 $0x23800, s4;
	[dreg:$0x5] =	wrdreg s23  }
0x21: {  	s1 =	simm.s32 $0x2;
	[dreg:$0x6] =	wrdreg s24;
	s21 =	simm.s32 $0x13080  }
0x22: {  	s3 =	sadd.s32 $0x1400, s6;
	s22 =	simm.s32 $0x13880;
	[dreg:$0x1b] =	wrdreg s21  }
0x23: {  	s5 =	sadd.s32 $0x1600, s6;
	s23 =	simm.s32 $0x14080;
	[dreg:$0x1c] =	wrdreg s22  }
0x24: {  	v2 =	vlaneseq.u32;
	s4 =	sadd.s32 $0x1500, s6;
	s24 =	simm.s32 $0x14880;
	[dreg:$0x1d] =	wrdreg s23  }
0x25: {  	vm0 =	vmmov $0xffff;
	v1 =	vshrl.u32 v2, $0x3;
	s6 =	sadd.s32 $0x1700, s6;
	s21 =	simm.s32 $0x6080;
	[dreg:$0x1e] =	wrdreg s24  }
0x26: {  	v0 =	vand.u32 $0x7, v2;
	v2 =	vor.u32 $0x8, v2;
	v1 =	vmul.u32 $0x8, v1;
	s22 =	simm.s32 $0x6880;
	s23 =	simm.s32 $0x7080;
	s24 =	simm.s32 $0x7880  }
.LBB2_1:
0x27: {  	s0 =	rddreg [dreg:$0x2]  }
0x28: {  	[tilespmem:s2], [sflag:$0x3] =	stream.linear.gather [hbm4b:s0+s2], $0x80, $0x38;
	[tilespmem:$0x18080] =	vst v63  }
0x29: {  	_ =	swait.ge [sflag:s8], $0x80  }
0x2a: {  	[sflag:s8] =	ssyncset.done $0x0  }
0x2b: {  	[sflag:s8] =	ssyncadd.s32 $0xFFFFFF80  }
0x2c: {  	v3 =	vld [tilespmem:$0x0];
	_ =	sdelay $0x4  }
0x2d: {  	v4 =	vshll.u32 v3, $0x3  }
0x2e: {  	v3 =	vand.u32 $0x7, v3;
	v4 =	vand.u32 $0xFFFFFFC0, v4  }
0x2f: {  	v3 =	vor.u32 v3, v4  }
0x30: {  	v4 =	vperm.xlane v3, v0;
	_ =	sdelay $0x1  }
0x31: {  	v4 =	vadd.s32 v1, v4;
	_ =	sdelay $0x4  }
0x32: {  	[tilespmem:s9], [sflag:$0x1] =	stream.indirect_vreg.gather [hbm4b:s3+s2], $0x80, v4, vm0, $0xb8;
	[tilespmem:$0x18080] =	vst v63  }
0x33: {  	v3 =	vperm.xlane v3, v2  }
0x34: {  	[tilespmem:s10], [sflag:$0x1] =	stream.indirect_vreg.gather [hbm4b:s4+s2], $0x80, v4, vm0, $0xb8;
	[tilespmem:$0x18080] =	vst v63  }
0x35: {  	v3 =	vadd.s32 v1, v3  }
0x36: {  	[tilespmem:s11], [sflag:$0x1] =	stream.indirect_vreg.gather [hbm4b:s5+s2], $0x80, v4, vm0, $0xb8;
	[tilespmem:$0x18080] =	vst v63  }
0x37: {  	_ = 	snop  }
0x38: {  	[tilespmem:s12], [sflag:$0x1] =	stream.indirect_vreg.gather [hbm4b:s6+s2], $0x80, v4, vm0, $0xb8;
	[tilespmem:$0x18080] =	vst v63  }
0x39: {  	_ = 	snop  }
0x3a: {  	[tilespmem:s13], [sflag:$0x1] =	stream.indirect_vreg.gather [hbm4b:s3+s2], $0x80, v3, vm0, $0xb8;
	[tilespmem:$0x18080] =	vst v63  }
0x3b: {  	_ = 	snop  }
0x3c: {  	[tilespmem:s14], [sflag:$0x1] =	stream.indirect_vreg.gather [hbm4b:s4+s2], $0x80, v3, vm0, $0xb8;
	[tilespmem:$0x18080] =	vst v63  }
0x3d: {  	_ = 	snop  }
0x3e: {  	[tilespmem:s15], [sflag:$0x1] =	stream.indirect_vreg.gather [hbm4b:s5+s2], $0x80, v3, vm0, $0xb8;
	[tilespmem:$0x18080] =	vst v63  }
0x3f: {  	_ = 	snop  }
0x40: {  	[tilespmem:s16], [sflag:$0x1] =	stream.indirect_vreg.gather [hbm4b:s6+s2], $0x80, v3, vm0, $0xb8;
	[tilespmem:$0x18080] =	vst v63  }
0x41: {  	v3 =	vld [tilespmem:$0x10];
	_ =	sdelay $0x4  }
0x42: {  	v57 =	vshll.u32 v3, $0x3  }
0x43: {  	v3 =	vand.u32 $0x7, v3;
	v4 =	vand.u32 $0xFFFFFFC0, v57  }
0x44: {  	v3 =	vor.u32 v3, v4  }
0x45: {  	v4 =	vperm.xlane v3, v0;
	_ =	sdelay $0x1  }
0x46: {  	v4 =	vadd.s32 v1, v4;
	_ =	sdelay $0x4  }
0x47: {  	[tilespmem:s17], [sflag:$0x1] =	stream.indirect_vreg.gather [hbm4b:s3+s2], $0x80, v4, vm0, $0xb8;
	[tilespmem:$0x18080] =	vst v63  }
0x48: {  	v3 =	vperm.xlane v3, v2  }
0x49: {  	[tilespmem:s18], [sflag:$0x1] =	stream.indirect_vreg.gather [hbm4b:s4+s2], $0x80, v4, vm0, $0xb8;
	[tilespmem:$0x18080] =	vst v63  }
0x4a: {  	v3 =	vadd.s32 v1, v3  }
0x4b: {  	[tilespmem:s19], [sflag:$0x1] =	stream.indirect_vreg.gather [hbm4b:s5+s2], $0x80, v4, vm0, $0xb8;
	[tilespmem:$0x18080] =	vst v63  }
0x4c: {  	_ = 	snop  }
0x4d: {  	[tilespmem:s20], [sflag:$0x1] =	stream.indirect_vreg.gather [hbm4b:s6+s2], $0x80, v4, vm0, $0xb8;
	[tilespmem:$0x18080] =	vst v63  }
0x4e: {  	_ = 	snop  }
0x4f: {  	[tilespmem:s21], [sflag:$0x1] =	stream.indirect_vreg.gather [hbm4b:s3+s2], $0x80, v3, vm0, $0xb8;
	[tilespmem:$0x18080] =	vst v63  }
0x50: {  	_ = 	snop  }
0x51: {  	[tilespmem:s22], [sflag:$0x1] =	stream.indirect_vreg.gather [hbm4b:s4+s2], $0x80, v3, vm0, $0xb8;
	[tilespmem:$0x18080] =	vst v63  }
0x52: {  	_ = 	snop  }
0x53: {  	[tilespmem:s23], [sflag:$0x1] =	stream.indirect_vreg.gather [hbm4b:s5+s2], $0x80, v3, vm0, $0xb8;
	[tilespmem:$0x18080] =	vst v63  }
0x54: {  	_ = 	snop  }
0x55: {  	[tilespmem:s24], [sflag:$0x1] =	stream.indirect_vreg.gather [hbm4b:s6+s2], $0x80, v3, vm0, $0xb8;
	[tilespmem:$0x18080] =	vst v63  }
0x56: {  	v3 =	vld [tilespmem:$0x20];
	_ =	sdelay $0x4  }
0x57: {  	v58 =	vshll.u32 v3, $0x3  }
0x58: {  	v3 =	vand.u32 $0x7, v3;
	v4 =	vand.u32 $0xFFFFFFC0, v58  }
0x59: {  	v3 =	vor.u32 v3, v4  }
0x5a: {  	v4 =	vperm.xlane v3, v0;
	_ =	sdelay $0x1  }
0x5b: {  	v4 =	vadd.s32 v1, v4;
	_ =	sdelay $0x4  }
0x5c: {  	[tilespmem:s25], [sflag:$0x1] =	stream.indirect_vreg.gather [hbm4b:s3+s2], $0x80, v4, vm0, $0xb8;
	[tilespmem:$0x18080] =	vst v63  }
0x5d: {  	s0 =	rddreg [dreg:$0x7];
	v3 =	vperm.xlane v3, v2  }
0x5e: {  	[tilespmem:s0], [sflag:$0x1] =	stream.indirect_vreg.gather [hbm4b:s4+s2], $0x80, v4, vm0, $0xb8;
	[tilespmem:$0x18080] =	vst v63  }
0x5f: {  	s28 =	rddreg [dreg:$0x8];
	v3 =	vadd.s32 v1, v3  }
0x60: {  	[tilespmem:s28], [sflag:$0x1] =	stream.indirect_vreg.gather [hbm4b:s5+s2], $0x80, v4, vm0, $0xb8;
	[tilespmem:$0x18080] =	vst v63  }
0x61: {  	s0 =	rddreg [dreg:$0x9]  }
0x62: {  	[tilespmem:s0], [sflag:$0x1] =	stream.indirect_vreg.gather [hbm4b:s6+s2], $0x80, v4, vm0, $0xb8;
	[tilespmem:$0x18080] =	vst v63  }
0x63: {  	s28 =	rddreg [dreg:$0xa]  }
0x64: {  	[tilespmem:s28], [sflag:$0x1] =	stream.indirect_vreg.gather [hbm4b:s3+s2], $0x80, v3, vm0, $0xb8;
	[tilespmem:$0x18080] =	vst v63  }
0x65: {  	s0 =	rddreg [dreg:$0xb]  }
0x66: {  	[tilespmem:s0], [sflag:$0x1] =	stream.indirect_vreg.gather [hbm4b:s4+s2], $0x80, v3, vm0, $0xb8;
	[tilespmem:$0x18080] =	vst v63  }
0x67: {  	s28 =	rddreg [dreg:$0xc]  }
0x68: {  	[tilespmem:s28], [sflag:$0x1] =	stream.indirect_vreg.gather [hbm4b:s5+s2], $0x80, v3, vm0, $0xb8;
	[tilespmem:$0x18080] =	vst v63  }
0x69: {  	s0 =	rddreg [dreg:$0xd]  }
0x6a: {  	[tilespmem:s0], [sflag:$0x1] =	stream.indirect_vreg.gather [hbm4b:s6+s2], $0x80, v3, vm0, $0xb8;
	[tilespmem:$0x18080] =	vst v63  }
0x6b: {  	v3 =	vld [tilespmem:$0x30];
	_ =	sdelay $0x4  }
0x6c: {  	v59 =	vshll.u32 v3, $0x3  }
0x6d: {  	v3 =	vand.u32 $0x7, v3;
	v4 =	vand.u32 $0xFFFFFFC0, v59  }
0x6e: {  	v3 =	vor.u32 v3, v4  }
0x6f: {  	v4 =	vperm.xlane v3, v0;
	_ =	sdelay $0x1  }
0x70: {  	v4 =	vadd.s32 v1, v4;
	_ =	sdelay $0x3  }
0x71: {  	s0 =	rddreg [dreg:$0xe]  }
0x72: {  	[tilespmem:s0], [sflag:$0x1] =	stream.indirect_vreg.gather [hbm4b:s3+s2], $0x80, v4, vm0, $0xb8;
	[tilespmem:$0x18080] =	vst v63  }
0x73: {  	s28 =	rddreg [dreg:$0xf];
	v3 =	vperm.xlane v3, v2  }
0x74: {  	[tilespmem:s28], [sflag:$0x1] =	stream.indirect_vreg.gather [hbm4b:s4+s2], $0x80, v4, vm0, $0xb8;
	[tilespmem:$0x18080] =	vst v63  }
0x75: {  	v3 =	vadd.s32 v1, v3;
	s0 =	rddreg [dreg:$0x10]  }
0x76: {  	[tilespmem:s0], [sflag:$0x1] =	stream.indirect_vreg.gather [hbm4b:s5+s2], $0x80, v4, vm0, $0xb8;
	[tilespmem:$0x18080] =	vst v63  }
0x77: {  	s28 =	rddreg [dreg:$0x11]  }
0x78: {  	[tilespmem:s28], [sflag:$0x1] =	stream.indirect_vreg.gather [hbm4b:s6+s2], $0x80, v4, vm0, $0xb8;
	[tilespmem:$0x18080] =	vst v63  }
0x79: {  	s0 =	rddreg [dreg:$0x12]  }
0x7a: {  	[tilespmem:s0], [sflag:$0x1] =	stream.indirect_vreg.gather [hbm4b:s3+s2], $0x80, v3, vm0, $0xb8;
	[tilespmem:$0x18080] =	vst v63  }
0x7b: {  	s28 =	rddreg [dreg:$0x13]  }
0x7c: {  	[tilespmem:s28], [sflag:$0x1] =	stream.indirect_vreg.gather [hbm4b:s4+s2], $0x80, v3, vm0, $0xb8;
	[tilespmem:$0x18080] =	vst v63  }
0x7d: {  	s0 =	rddreg [dreg:$0x14]  }
0x7e: {  	[tilespmem:s0], [sflag:$0x1] =	stream.indirect_vreg.gather [hbm4b:s5+s2], $0x80, v3, vm0, $0xb8;
	[tilespmem:$0x18080] =	vst v63  }
0x7f: {  	s28 =	rddreg [dreg:$0x15]  }
0x80: {  	[tilespmem:s28], [sflag:$0x1] =	stream.indirect_vreg.gather [hbm4b:s6+s2], $0x80, v3, vm0, $0xb8;
	[tilespmem:$0x18080] =	vst v63  }
0x81: {  	v3 =	vld [tilespmem:$0x40];
	_ =	sdelay $0x4  }
0x82: {  	v60 =	vshll.u32 v3, $0x3  }
0x83: {  	v3 =	vand.u32 $0x7, v3;
	v4 =	vand.u32 $0xFFFFFFC0, v60  }
0x84: {  	v3 =	vor.u32 v3, v4  }
0x85: {  	v4 =	vperm.xlane v3, v0;
	_ =	sdelay $0x1  }
0x86: {  	v4 =	vadd.s32 v1, v4;
	_ =	sdelay $0x4  }
0x87: {  	[tilespmem:s26], [sflag:$0x1] =	stream.indirect_vreg.gather [hbm4b:s3+s2], $0x80, v4, vm0, $0xb8;
	[tilespmem:$0x18080] =	vst v63  }
0x88: {  	s0 =	rddreg [dreg:$0x16];
	v3 =	vperm.xlane v3, v2  }
0x89: {  	[tilespmem:s0], [sflag:$0x1] =	stream.indirect_vreg.gather [hbm4b:s4+s2], $0x80, v4, vm0, $0xb8;
	[tilespmem:$0x18080] =	vst v63  }
0x8a: {  	s28 =	rddreg [dreg:$0x17];
	v3 =	vadd.s32 v1, v3  }
0x8b: {  	[tilespmem:s28], [sflag:$0x1] =	stream.indirect_vreg.gather [hbm4b:s5+s2], $0x80, v4, vm0, $0xb8;
	[tilespmem:$0x18080] =	vst v63  }
0x8c: {  	s0 =	rddreg [dreg:$0x18]  }
0x8d: {  	[tilespmem:s0], [sflag:$0x1] =	stream.indirect_vreg.gather [hbm4b:s6+s2], $0x80, v4, vm0, $0xb8;
	[tilespmem:$0x18080] =	vst v63  }
0x8e: {  	s28 =	rddreg [dreg:$0x19]  }
0x8f: {  	[tilespmem:s28], [sflag:$0x1] =	stream.indirect_vreg.gather [hbm4b:s3+s2], $0x80, v3, vm0, $0xb8;
	[tilespmem:$0x18080] =	vst v63  }
0x90: {  	s0 =	rddreg [dreg:$0x1a]  }
0x91: {  	[tilespmem:s0], [sflag:$0x1] =	stream.indirect_vreg.gather [hbm4b:s4+s2], $0x80, v3, vm0, $0xb8;
	[tilespmem:$0x18080] =	vst v63  }
0x92: {  	s28 =	rddreg [dreg:$0x1b]  }
0x93: {  	[tilespmem:s28], [sflag:$0x1] =	stream.indirect_vreg.gather [hbm4b:s5+s2], $0x80, v3, vm0, $0xb8;
	[tilespmem:$0x18080] =	vst v63  }
0x94: {  	s0 =	rddreg [dreg:$0x1c]  }
0x95: {  	[tilespmem:s0], [sflag:$0x1] =	stream.indirect_vreg.gather [hbm4b:s6+s2], $0x80, v3, vm0, $0xb8;
	[tilespmem:$0x18080] =	vst v63  }
0x96: {  	v3 =	vld [tilespmem:$0x50];
	_ =	sdelay $0x4  }
0x97: {  	v61 =	vshll.u32 v3, $0x3  }
0x98: {  	v3 =	vand.u32 $0x7, v3;
	v4 =	vand.u32 $0xFFFFFFC0, v61  }
0x99: {  	v3 =	vor.u32 v3, v4  }
0x9a: {  	v4 =	vperm.xlane v3, v0;
	_ =	sdelay $0x1  }
0x9b: {  	v4 =	vadd.s32 v1, v4;
	_ =	sdelay $0x2  }
0x9c: {  	s28 =	rddreg [dreg:$0x1e]  }
0x9d: {  	s0 =	rddreg [dreg:$0x1d]  }
0x9e: {  	[tilespmem:s0], [sflag:$0x1] =	stream.indirect_vreg.gather [hbm4b:s3+s2], $0x80, v4, vm0, $0xb8;
	[tilespmem:$0x18080] =	vst v63  }
0x9f: {  	v3 =	vperm.xlane v3, v2;
	s0 =	rddreg [dreg:$0x1f]  }
0xa0: {  	[tilespmem:s28], [sflag:$0x1] =	stream.indirect_vreg.gather [hbm4b:s4+s2], $0x80, v4, vm0, $0xb8;
	[tilespmem:$0x18080] =	vst v63  }
0xa1: {  	v3 =	vadd.s32 v1, v3;
	s28 =	sld [smem:$0x7FC]  }
0xa2: {  	[tilespmem:s0], [sflag:$0x1] =	stream.indirect_vreg.gather [hbm4b:s5+s2], $0x80, v4, vm0, $0xb8;
	[tilespmem:$0x18080] =	vst v63  }
0xa3: {  	s0 =	sld [smem:$0x7FD]  }
0xa4: {  	[tilespmem:s28], [sflag:$0x1] =	stream.indirect_vreg.gather [hbm4b:s6+s2], $0x80, v4, vm0, $0xb8;
	[tilespmem:$0x18080] =	vst v63  }
0xa5: {  	_ = 	snop  }
0xa6: {  	[tilespmem:s0], [sflag:$0x1] =	stream.indirect_vreg.gather [hbm4b:s3+s2], $0x80, v3, vm0, $0xb8;
	[tilespmem:$0x18080] =	vst v63  }
0xa7: {  	s28 =	simm.s32 $0x16880  }
0xa8: {  	[tilespmem:s28], [sflag:$0x1] =	stream.indirect_vreg.gather [hbm4b:s4+s2], $0x80, v3, vm0, $0xb8;
	[tilespmem:$0x18080] =	vst v63  }
0xa9: {  	_ = 	snop  }
0xaa: {  	[tilespmem:s29], [sflag:$0x1] =	stream.indirect_vreg.gather [hbm4b:s5+s2], $0x80, v3, vm0, $0xb8;
	[tilespmem:$0x18080] =	vst v63  }
0xab: {  	_ = 	snop  }
0xac: {  	[tilespmem:s30], [sflag:$0x1] =	stream.indirect_vreg.gather [hbm4b:s6+s2], $0x80, v3, vm0, $0xb8;
	[tilespmem:$0x18080] =	vst v63  }
0xad: {  	_ =	swait.ge [sflag:s31], $0x8000  }
0xae: {  	[sflag:s31] =	ssyncset.done $0x0  }
0xaf: {  	s28 =	rddreg [dreg:$0x3];
	[sflag:s31] =	ssyncadd.s32 $0xFFFF8000  }
0xb0: {  	[hbm4b:s28+s2] =	stream.linear.scatter [tilespmem:s9], [sflag:$0x2], $0x8000, $0x38;
	[tilespmem:$0x18080] =	vst v63  }
0xb1: {  	_ =	swait.ge [sflag:s31], $0x8000  }
0xb2: {  	[sflag:s31] =	ssyncset.done $0x0  }
0xb3: {  	s28 =	rddreg [dreg:$0x4];
	[sflag:s31] =	ssyncadd.s32 $0xFFFF8000  }
0xb4: {  	[hbm4b:s28+s2] =	stream.linear.scatter [tilespmem:s25], [sflag:$0x2], $0x8000, $0x38;
	[tilespmem:$0x18080] =	vst v63  }
0xb5: {  	_ =	swait.ge [sflag:s31], $0x8000  }
0xb6: {  	[sflag:s31] =	ssyncset.done $0x0  }
0xb7: {  	s28 =	rddreg [dreg:$0x5];
	[sflag:s31] =	ssyncadd.s32 $0xFFFF8000  }
0xb8: {  	[hbm4b:s28+s2] =	stream.linear.scatter [tilespmem:s26], [sflag:$0x2], $0x8000, $0x38;
	[tilespmem:$0x18080] =	vst v63  }
0xb9: {  	_ =	swait.ge [sflag:s1], $0x8000  }
0xba: {  	[sflag:s1] =	ssyncset.done $0x0  }
0xbb: {  	[sflag:s1] =	ssyncadd.s32 $0xFFFF8000  }
0xbc: {  	v3 =	vld [tilespmem:$0x60];
	_ =	sdelay $0x4  }
0xbd: {  	v62 =	vshll.u32 v3, $0x3  }
0xbe: {  	v3 =	vand.u32 $0x7, v3;
	v4 =	vand.u32 $0xFFFFFFC0, v62  }
0xbf: {  	v3 =	vor.u32 v3, v4  }
0xc0: {  	v4 =	vperm.xlane v3, v0;
	_ =	sdelay $0x1  }
0xc1: {  	v4 =	vadd.s32 v1, v4;
	_ =	sdelay $0x4  }
0xc2: {  	[tilespmem:s9], [sflag:$0x1] =	stream.indirect_vreg.gather [hbm4b:s3+s2], $0x80, v4, vm0, $0xb8;
	[tilespmem:$0x18080] =	vst v63  }
0xc3: {  	v3 =	vperm.xlane v3, v2  }
0xc4: {  	[tilespmem:s10], [sflag:$0x1] =	stream.indirect_vreg.gather [hbm4b:s4+s2], $0x80, v4, vm0, $0xb8;
	[tilespmem:$0x18080] =	vst v63  }
0xc5: {  	v3 =	vadd.s32 v1, v3  }
0xc6: {  	[tilespmem:s11], [sflag:$0x1] =	stream.indirect_vreg.gather [hbm4b:s5+s2], $0x80, v4, vm0, $0xb8;
	[tilespmem:$0x18080] =	vst v63  }
0xc7: {  	_ = 	snop  }
0xc8: {  	[tilespmem:s12], [sflag:$0x1] =	stream.indirect_vreg.gather [hbm4b:s6+s2], $0x80, v4, vm0, $0xb8;
	[tilespmem:$0x18080] =	vst v63  }
0xc9: {  	_ = 	snop  }
0xca: {  	[tilespmem:s13], [sflag:$0x1] =	stream.indirect_vreg.gather [hbm4b:s3+s2], $0x80, v3, vm0, $0xb8;
	[tilespmem:$0x18080] =	vst v63  }
0xcb: {  	_ = 	snop  }
0xcc: {  	[tilespmem:s14], [sflag:$0x1] =	stream.indirect_vreg.gather [hbm4b:s4+s2], $0x80, v3, vm0, $0xb8;
	[tilespmem:$0x18080] =	vst v63  }
0xcd: {  	_ = 	snop  }
0xce: {  	[tilespmem:s15], [sflag:$0x1] =	stream.indirect_vreg.gather [hbm4b:s5+s2], $0x80, v3, vm0, $0xb8;
	[tilespmem:$0x18080] =	vst v63  }
0xcf: {  	_ = 	snop  }
0xd0: {  	[tilespmem:s16], [sflag:$0x1] =	stream.indirect_vreg.gather [hbm4b:s6+s2], $0x80, v3, vm0, $0xb8;
	[tilespmem:$0x18080] =	vst v63  }
0xd1: {  	v3 =	vld [tilespmem:$0x70];
	_ =	sdelay $0x4  }
0xd2: {  	v63 =	vshll.u32 v3, $0x3  }
0xd3: {  	v3 =	vand.u32 $0x7, v3;
	v4 =	vand.u32 $0xFFFFFFC0, v63  }
0xd4: {  	v3 =	vor.u32 v3, v4  }
0xd5: {  	v4 =	vperm.xlane v3, v0;
	_ =	sdelay $0x1  }
0xd6: {  	v4 =	vadd.s32 v1, v4;
	_ =	sdelay $0x4  }
0xd7: {  	[tilespmem:s17], [sflag:$0x1] =	stream.indirect_vreg.gather [hbm4b:s3+s2], $0x80, v4, vm0, $0xb8;
	[tilespmem:$0x18080] =	vst v63  }
0xd8: {  	v3 =	vperm.xlane v3, v2  }
0xd9: {  	[tilespmem:s18], [sflag:$0x1] =	stream.indirect_vreg.gather [hbm4b:s4+s2], $0x80, v4, vm0, $0xb8;
	[tilespmem:$0x18080] =	vst v63  }
0xda: {  	v3 =	vadd.s32 v1, v3  }
0xdb: {  	[tilespmem:s19], [sflag:$0x1] =	stream.indirect_vreg.gather [hbm4b:s5+s2], $0x80, v4, vm0, $0xb8;
	[tilespmem:$0x18080] =	vst v63  }
0xdc: {  	_ = 	snop  }
0xdd: {  	[tilespmem:s20], [sflag:$0x1] =	stream.indirect_vreg.gather [hbm4b:s6+s2], $0x80, v4, vm0, $0xb8;
	[tilespmem:$0x18080] =	vst v63  }
0xde: {  	_ = 	snop  }
0xdf: {  	[tilespmem:s21], [sflag:$0x1] =	stream.indirect_vreg.gather [hbm4b:s3+s2], $0x80, v3, vm0, $0xb8;
	[tilespmem:$0x18080] =	vst v63  }
0xe0: {  	_ = 	snop  }
0xe1: {  	[tilespmem:s22], [sflag:$0x1] =	stream.indirect_vreg.gather [hbm4b:s4+s2], $0x80, v3, vm0, $0xb8;
	[tilespmem:$0x18080] =	vst v63  }
0xe2: {  	_ = 	snop  }
0xe3: {  	[tilespmem:s23], [sflag:$0x1] =	stream.indirect_vreg.gather [hbm4b:s5+s2], $0x80, v3, vm0, $0xb8;
	[tilespmem:$0x18080] =	vst v63  }
0xe4: {  	_ = 	snop  }
0xe5: {  	[tilespmem:s24], [sflag:$0x1] =	stream.indirect_vreg.gather [hbm4b:s6+s2], $0x80, v3, vm0, $0xb8;
	[tilespmem:$0x18080] =	vst v63  }
0xe6: {  	_ =	swait.ge [sflag:s31], $0x8000  }
0xe7: {  	[sflag:s31] =	ssyncset.done $0x0  }
0xe8: {  	s28 =	rddreg [dreg:$0x6];
	[sflag:s31] =	ssyncadd.s32 $0xFFFF8000  }
0xe9: {  	[hbm4b:s28+s2] =	stream.linear.scatter [tilespmem:s9], [sflag:$0x2], $0x8000, $0x38;
	[tilespmem:$0x18080] =	vst v63  }
0xea: {  	_ =	swait.ge [sflag:s1], $0x8000  }
0xeb: {  	[sflag:s1] =	ssyncset.done $0x0  }
0xec: {  	[sflag:s1] =	ssyncadd.s32 $0xFFFF8000  }
0xed: {  	p0 =	sne.s32 s7, $0x1;
	_ =	swait.ge [sflag:s1], $0x8000  }
.Ltmp0:
0xee: {  	[sflag:s1] =	ssyncset.done $0x0;
	(pc) =	sbr.rel @p0 .LBB2_1-.Ltmp0, $4  }
0xef: {  	[sflag:s1] =	ssyncadd.s32 $0xFFFF8000  }
0xf0: {  	_ =	swait.ge [sflag:s1], $0x8000  }
0xf1: {  	[sflag:s1] =	ssyncset.done $0x0  }
0xf2: {  	s7 =	sadd.s32 $0xFFFFFFFF, s7;
	[sflag:s1] =	ssyncadd.s32 $0xFFFF8000  }
0xf3: {  	_ =	sfence.sel $0x180000  }
0xf4: {  	[bflag:$0x0] =	sbarrier.arrive $0xFFFF  }
0xf5: {  	_ =	strace $0x9000004A  }
0xf6: {  	s0 =	stileid.u32;
	[bflag:$0x2] =	sbarrier.arrive $0xFFFF  }
0xf7: {  	p0 =	sne.s32 s0, $0x0;
	s0 =	rddreg [dreg:$0x1]  }
0xf8: {  	s0 =	sadd.s32 @!p0 $0x100000, s0  }
0xf9: {  	[sflag:s0] =	ssyncadd.tile.s32 @!p0 $0x1;
	_ =	shalt  }
.Lfunc_end2:
_tile_overlayer_lowered:
.L_overlay_start_2:
0xfa: {  	(tag) =	ssettag $0x2  }
0xfb: {  	s0 =	rddreg [dreg:$0x0];
	s2 =	stileid.u32  }
0xfc: {  	s1 =	rddreg [dreg:$0x1];
	p0 =	sne.s32 s2, $0x0  }
0xfd: {  	s3 =	rddreg [dreg:$0x2];
	[bflag:$0x3] =	sbarrier.arrive $0xFFFF;
	s2 =	simm.s32 @!p0 $0x1C03  }
0xfe: {  	[timem:s3], [sflag:s2] =	dma.local @!p0 [hbm:s0], s1  }
0xff: {  	s0 =	simm.s32 @!p0 $0x3  }
0x100: {  	_ =	swait.ge @!p0 [sflag:s0], s1  }
0x101: {  	s1 =	ssub.s32 @!p0 $0x0, s1;
	[sflag:s0] =	ssyncset.done @!p0 $0x0  }
0x102: {  	[sflag:s0] =	ssyncadd.s32 @!p0 s1  }
0x103: {  	[bflag:$0x3] =	sbarrier.arrive $0xFFFF  }
0x104: {  	_ =	shalt  }

</sc_bundles>
